<compile_context>
chip_gen: v7x
topology: tpu7x:2x2x1
jax: 0.10.2.dev20260603
libtpu: 0.0.44.dev20260713+nightly
codegen_flags: <defaults>
</compile_context>

<pallas_src>
import functools
import math

import jax
import jax.numpy as jnp
import numpy as np
from jax import lax
from jax.experimental import pallas as pl
from jax.experimental.pallas import tpu as pltpu
from jax.experimental.pallas import tpu_sc as plsc

_HI = jax.lax.Precision.HIGHEST
_LANES = 16


def _dot(a, b, precision=_HI):
    return jax.lax.dot_general(a, b, (((1,), (0,)), ((), ())),
                               precision=precision,
                               preferred_element_type=jnp.float32)


def _row_normalize(v, eps=1e-12):
    nrm = jnp.sqrt(jnp.sum(v * v, axis=1, keepdims=True))
    return v / jnp.maximum(nrm, eps)


@functools.lru_cache(maxsize=4)
def _dft_basis(d):
    mf = np.outer(np.arange(d), np.arange(d)) % d
    theta = mf.astype(np.float64) * (2.0 * math.pi / d)
    return (jnp.asarray(np.cos(theta), jnp.float32),
            jnp.asarray(np.sin(theta), jnp.float32))


def _prep_body(lab_ref, sig_ref, cos_ref, sin_ref, c_ref, en_ref):
    d = lab_ref.shape[1]
    ln = _row_normalize(lab_ref[...])
    en = _row_normalize(sig_ref[...])
    en_ref[...] = en

    cosm = cos_ref[...]
    sinm = sin_ref[...]

    a = _dot(en, cosm)
    b = _dot(en, sinm)
    cc = _dot(ln, cosm)
    dd = _dot(ln, sinm)
    rr = jnp.sum(a * cc - b * dd, axis=0, keepdims=True)
    ri = -jnp.sum(a * dd + b * cc, axis=0, keepdims=True)
    t1 = (cosm * rr - sinm * ri) * (1.0 / d)
    t2 = (sinm * rr + cosm * ri) * (1.0 / d)
    c_ref[...] = _dot(t1, cosm) + _dot(t2, sinm)


def _main_body(x_ref, c_ref, en_ref, sc_ref, sct_ref):
    xn = _row_normalize(x_ref[...])
    s = _dot(xn, c_ref[...])
    sn = _row_normalize(s)
    scores = jax.lax.dot_general(sn.astype(jnp.bfloat16),
                                 en_ref[...].astype(jnp.bfloat16),
                                 (((1,), (1,)), ((), ())),
                                 preferred_element_type=jnp.float32)
    sc_ref[...] = scores
    sct_ref[...] = scores.T


def _sc_route_body(n_exp, chunk, sct_hbm, w1_hbm, w2_hbm, i1_hbm, i2_hbm,
                   sct_v, w1_v, w2_v, i1_v, i2_v):
    wid = lax.axis_index("s") * 2 + lax.axis_index("c")
    base = wid * chunk
    pltpu.sync_copy(sct_hbm.at[:, pl.ds(base, chunk)], sct_v)

    def block(b, carry_unused):
        o = b * _LANES
        neg = jnp.full((_LANES,), -jnp.inf, jnp.float32)
        zero = jnp.zeros((_LANES,), jnp.int32)
        b1, i1, b2, i2 = neg, zero, neg, zero
        for e in range(n_exp):
            v = sct_v[e, pl.ds(o, _LANES)]
            ev = zero + e
            gt1 = v > b1
            nb1 = jnp.where(gt1, v, b1)
            ni1 = jnp.where(gt1, ev, i1)
            dem = jnp.where(gt1, b1, v)
            demi = jnp.where(gt1, i1, ev)
            gt2 = dem > b2
            b2 = jnp.where(gt2, dem, b2)
            i2 = jnp.where(gt2, demi, i2)
            b1, i1 = nb1, ni1
        e2 = jnp.exp(b2 - b1)
        den = 1.0 + e2
        w1_v[pl.ds(o, _LANES)] = 1.0 / den
        w2_v[pl.ds(o, _LANES)] = e2 / den
        i1_v[pl.ds(o, _LANES)] = i1
        i2_v[pl.ds(o, _LANES)] = i2
        return carry_unused

    lax.fori_loop(0, chunk // _LANES, block, 0)
    pltpu.sync_copy(w1_v, w1_hbm.at[pl.ds(base, chunk)])
    pltpu.sync_copy(w2_v, w2_hbm.at[pl.ds(base, chunk)])
    pltpu.sync_copy(i1_v, i1_hbm.at[pl.ds(base, chunk)])
    pltpu.sync_copy(i2_v, i2_hbm.at[pl.ds(base, chunk)])


def _sc_route(scores_t):
    e, n = scores_t.shape
    chunk = n // 32
    mesh = plsc.VectorSubcoreMesh(core_axis_name="c", subcore_axis_name="s")
    f32, i32 = jnp.float32, jnp.int32
    return pl.kernel(
        functools.partial(_sc_route_body, e, chunk),
        mesh=mesh,
        out_type=[
            jax.ShapeDtypeStruct((n,), f32),
            jax.ShapeDtypeStruct((n,), f32),
            jax.ShapeDtypeStruct((n,), i32),
            jax.ShapeDtypeStruct((n,), i32),
        ],
        scratch_types=[
            pltpu.VMEM((e, chunk), f32),
            pltpu.VMEM((chunk,), f32),
            pltpu.VMEM((chunk,), f32),
            pltpu.VMEM((chunk,), i32),
            pltpu.VMEM((chunk,), i32),
        ],
    )(scores_t)


def kernel(x, labels, signatures):
    n, d = x.shape
    e = labels.shape[0]

    cosm, sinm = _dft_basis(d)
    c_mat, en = pl.pallas_call(
        _prep_body,
        out_shape=[
            jax.ShapeDtypeStruct((d, d), jnp.float32),
            jax.ShapeDtypeStruct((e, d), jnp.float32),
        ],
    )(labels, signatures, cosm, sinm)

    tile = 1024
    while n % tile:
        tile //= 2
    grid = (n // tile,)

    scores, scores_t = pl.pallas_call(
        _main_body,
        grid=grid,
        in_specs=[
            pl.BlockSpec((tile, d), lambda i: (i, 0)),
            pl.BlockSpec((d, d), lambda i: (0, 0)),
            pl.BlockSpec((e, d), lambda i: (0, 0)),
        ],
        out_specs=[
            pl.BlockSpec((tile, e), lambda i: (i, 0)),
            pl.BlockSpec((e, tile), lambda i: (0, i)),
        ],
        out_shape=[
            jax.ShapeDtypeStruct((n, e), jnp.float32),
            jax.ShapeDtypeStruct((e, n), jnp.float32),
        ],
    )(x, c_mat, en)

    w1, w2, i1, i2 = _sc_route(scores_t)
    weights = jnp.stack([w1, w2], axis=1)
    indices = jnp.stack([i1, i2], axis=1)
    return weights, indices, scores

# --- scband reference (transcript-rebuilt; emitter-appended) ---
"""Pipeline reference for scband-hrrrouter-84181359001985 (READ-ONLY COPY).

The authoritative reference and input builder live on the scoring server;
editing this copy changes nothing except your own understanding.
"""

import jax, jax.numpy as jnp
import numpy as np

N_EXPERTS = 64
TOP_K = 2
D = 768
N_TOK = 32768
TEMPERATURE = 1.0


def _normalize(v, axis=-1, eps=1e-12):
    return v / jnp.maximum(jnp.linalg.norm(v, axis=axis, keepdims=True), eps)


def _bind(a, b):
    # HRR binding: circular convolution via FFT
    return jnp.real(jnp.fft.ifft(jnp.fft.fft(a, axis=-1) * jnp.fft.fft(b, axis=-1), axis=-1))


def _unbind(x, r):
    # HRR unbinding: circular correlation (bind with approximate inverse)
    return jnp.real(jnp.fft.ifft(jnp.fft.fft(x, axis=-1) * jnp.conj(jnp.fft.fft(r, axis=-1)), axis=-1))


def setup_inputs(seed: int = 0) -> dict:
    key = jax.random.key(seed)
    k1, k2, k3 = jax.random.split(key, 3)
    x = jax.random.normal(k1, (N_TOK, D), dtype=jnp.float32)
    # learn_expert_labels=True -> nn.Parameter(randn * 0.02)
    labels = jax.random.normal(k2, (N_EXPERTS, D), dtype=jnp.float32) * 0.02
    # learn_expert_signatures=False -> buffer: F.normalize(randn)
    signatures = _normalize(jax.random.normal(k3, (N_EXPERTS, D), dtype=jnp.float32))
    return {"x": x, "labels": labels, "signatures": signatures}


def reference(x, labels, signatures):
    # normalized labels / signatures
    L = _normalize(labels, axis=-1)
    E = _normalize(signatures, axis=-1)
    # router memory: R = sum_k bind(E_k, L_k)
    R = _bind(E, L).sum(axis=0)
    # normalize_inputs=True (use_input_projection=False)
    xn = _normalize(x, axis=-1)
    # unbind: S = x (circ-corr) R
    S = _unbind(xn, jnp.broadcast_to(R[None, :], xn.shape))
    # cosine similarity of retrieved vectors against expert signatures
    scores = _normalize(S, axis=-1) @ E.T
    top_k_scores, indices = jax.lax.top_k(scores, TOP_K)
    weights = jax.nn.softmax(top_k_scores / TEMPERATURE, axis=-1)
    return weights, indices, scores

if __name__ == "__main__":
    import jax
    _d = setup_inputs()
    print(jax.jit(kernel)(*tuple(_d.values())))

</pallas_src>

<mosaic_0001>
#map = affine_map<(d0, d1) -> (0, 0)>
#map1 = affine_map<(d0, d1) -> (0)>
module attributes {stable_mosaic.version = 14 : i64} {
  func.func @_sc_route_body(%arg0: i32, %arg1: i32, %arg2: memref<64x32768xf32, #tpu.memory_space<hbm>>, %arg3: memref<32768xf32, #tpu.memory_space<hbm>>, %arg4: memref<32768xf32, #tpu.memory_space<hbm>>, %arg5: memref<32768xi32, #tpu.memory_space<hbm>>, %arg6: memref<32768xi32, #tpu.memory_space<hbm>>, %arg7: memref<64x1024xf32, #tpu.memory_space<vmem>>, %arg8: memref<1024xf32, #tpu.memory_space<vmem>>, %arg9: memref<1024xf32, #tpu.memory_space<vmem>>, %arg10: memref<1024xi32, #tpu.memory_space<vmem>>, %arg11: memref<1024xi32, #tpu.memory_space<vmem>>) attributes {dimension_semantics = [#tpu.dimension_semantics<core_parallel>, #tpu.dimension_semantics<subcore_parallel>], iteration_bounds = array<i64: 2, 16>, scalar_prefetch = 0 : i64, scratch_operands = 5 : i64, tpu.core_type = #tpu.core_type<sc_vector_subcore>, window_params = [{transform_indices = #map}, {transform_indices = #map1}, {transform_indices = #map1}, {transform_indices = #map1}, {transform_indices = #map1}]} {
    %mul3A = arith.constant 2 : i32
    %mul3A_0 = arith.muli %arg1, %mul3A : i32
    %add3A = arith.addi %mul3A_0, %arg0 : i32
    %mul3A_1 = arith.constant 1024 : i32
    %mul3A_2 = arith.muli %add3A, %mul3A_1 : i32
    "tpu.region"() ({
      %run_scoped3A = tpu.sem_alloc : memref<!tpu.dma_semaphore, #tpu.memory_space<semaphore_mem>>
      %dma_start3A = arith.constant 0 : i32
      %dma_start3A_8 = tpu.memref_slice %arg2[%dma_start3A, %mul3A_2] : memref<64x32768xf32, #tpu.memory_space<hbm>> -> memref<64x1024xf32, #tpu.memory_space<hbm>>
      %dma_start3A_9 = arith.constant 0 : i32
      %dma_start3A_10 = tpu.memref_slice %arg2[%dma_start3A_9, %mul3A_2] : memref<64x32768xf32, #tpu.memory_space<hbm>> -> memref<64x1024xf32, #tpu.memory_space<hbm>>
      tpu.enqueue_dma source(%dma_start3A_10 : memref<64x1024xf32, #tpu.memory_space<hbm>>) target(%arg7 : memref<64x1024xf32, #tpu.memory_space<vmem>>) target_semaphore(%run_scoped3A : memref<!tpu.dma_semaphore, #tpu.memory_space<semaphore_mem>>)
      %dma_wait3A = arith.constant 0 : i32
      %dma_wait3A_11 = tpu.memref_slice %arg2[%dma_wait3A, %mul3A_2] : memref<64x32768xf32, #tpu.memory_space<hbm>> -> memref<64x1024xf32, #tpu.memory_space<hbm>>
      %dma_wait3A_12 = arith.constant 0 : i32
      %dma_wait3A_13 = tpu.memref_slice %arg2[%dma_wait3A_12, %mul3A_2] : memref<64x32768xf32, #tpu.memory_space<hbm>> -> memref<64x1024xf32, #tpu.memory_space<hbm>>
      tpu.wait_dma2 semaphore(%run_scoped3A : memref<!tpu.dma_semaphore, #tpu.memory_space<semaphore_mem>>) src(%dma_wait3A_13 : memref<64x1024xf32, #tpu.memory_space<hbm>>) dst(%arg7 : memref<64x1024xf32, #tpu.memory_space<vmem>>)
      tpu.yield
    }) : () -> ()
    %scan3A = arith.constant 0 : i32
    %scan3A_3 = arith.constant 0 : i32
    %scan3A_4 = arith.constant 64 : i32
    %scan3A_5 = arith.addi %scan3A_3, %scan3A_4 : i32
    %scan3A_6 = arith.constant 1 : i32
    scf.for %scan3A_8 = %scan3A_3 to %scan3A_5 step %scan3A_6  : i32 {
      %mul3A_9 = arith.constant 16 : i32
      %mul3A_10 = arith.muli %scan3A_8, %mul3A_9 : i32
      %broadcast_in_dim3A = arith.constant 0xFF800000 : f32
      %broadcast_in_dim3A_11 = vector.broadcast %broadcast_in_dim3A : f32 to vector<16xf32>
      %broadcast_in_dim3A_12 = arith.constant 0 : i32
      %broadcast_in_dim3A_13 = vector.broadcast %broadcast_in_dim3A_12 : i32 to vector<16xi32>
      %get3A = arith.constant 0 : i32
      %get3A_14 = arith.index_cast %get3A : i32 to index
      %get3A_15 = arith.index_cast %mul3A_10 : i32 to index
      %get3A_16 = tpu.vector_load %arg7[%get3A_14, %get3A_15] {strides = array<i32>} : memref<64x1024xf32, #tpu.memory_space<vmem>>, vector<1x16xf32>,
      %get3A_17 = vector.shape_cast %get3A_16 : vector<1x16xf32> to vector<16xf32>
      %add3A_18 = arith.constant 0 : i32
      %add3A_19 = vector.broadcast %add3A_18 : i32 to vector<16xi32>
      %add3A_20 = arith.addi %broadcast_in_dim3A_13, %add3A_19 : vector<16xi32>
      %gt3A = arith.cmpf ogt, %get3A_17, %broadcast_in_dim3A_11 : vector<16xf32>
      %select_n3A = arith.select %gt3A, %get3A_17, %broadcast_in_dim3A_11 : vector<16xi1>, vector<16xf32>
      %select_n3A_21 = arith.select %gt3A, %add3A_20, %broadcast_in_dim3A_13 : vector<16xi1>, vector<16xi32>
      %select_n3A_22 = arith.select %gt3A, %broadcast_in_dim3A_11, %get3A_17 : vector<16xi1>, vector<16xf32>
      %select_n3A_23 = arith.select %gt3A, %broadcast_in_dim3A_13, %add3A_20 : vector<16xi1>, vector<16xi32>
      %gt3A_24 = arith.cmpf ogt, %select_n3A_22, %broadcast_in_dim3A_11 : vector<16xf32>
      %select_n3A_25 = arith.select %gt3A_24, %select_n3A_22, %broadcast_in_dim3A_11 : vector<16xi1>, vector<16xf32>
      %select_n3A_26 = arith.select %gt3A_24, %select_n3A_23, %broadcast_in_dim3A_13 : vector<16xi1>, vector<16xi32>
      %get3A_27 = arith.constant 1 : i32
      %get3A_28 = arith.index_cast %get3A_27 : i32 to index
      %get3A_29 = arith.index_cast %mul3A_10 : i32 to index
      %get3A_30 = tpu.vector_load %arg7[%get3A_28, %get3A_29] {strides = array<i32>} : memref<64x1024xf32, #tpu.memory_space<vmem>>, vector<1x16xf32>,
      %get3A_31 = vector.shape_cast %get3A_30 : vector<1x16xf32> to vector<16xf32>
      %add3A_32 = arith.constant 1 : i32
      %add3A_33 = vector.broadcast %add3A_32 : i32 to vector<16xi32>
      %add3A_34 = arith.addi %broadcast_in_dim3A_13, %add3A_33 : vector<16xi32>
      %gt3A_35 = arith.cmpf ogt, %get3A_31, %select_n3A : vector<16xf32>
      %select_n3A_36 = arith.select %gt3A_35, %get3A_31, %select_n3A : vector<16xi1>, vector<16xf32>
      %select_n3A_37 = arith.select %gt3A_35, %add3A_34, %select_n3A_21 : vector<16xi1>, vector<16xi32>
      %select_n3A_38 = arith.select %gt3A_35, %select_n3A, %get3A_31 : vector<16xi1>, vector<16xf32>
      %select_n3A_39 = arith.select %gt3A_35, %select_n3A_21, %add3A_34 : vector<16xi1>, vector<16xi32>
      %gt3A_40 = arith.cmpf ogt, %select_n3A_38, %select_n3A_25 : vector<16xf32>
      %select_n3A_41 = arith.select %gt3A_40, %select_n3A_38, %select_n3A_25 : vector<16xi1>, vector<16xf32>
      %select_n3A_42 = arith.select %gt3A_40, %select_n3A_39, %select_n3A_26 : vector<16xi1>, vector<16xi32>
      %get3A_43 = arith.constant 2 : i32
      %get3A_44 = arith.index_cast %get3A_43 : i32 to index
      %get3A_45 = arith.index_cast %mul3A_10 : i32 to index
      %get3A_46 = tpu.vector_load %arg7[%get3A_44, %get3A_45] {strides = array<i32>} : memref<64x1024xf32, #tpu.memory_space<vmem>>, vector<1x16xf32>,
      %get3A_47 = vector.shape_cast %get3A_46 : vector<1x16xf32> to vector<16xf32>
      %add3A_48 = arith.constant 2 : i32
      %add3A_49 = vector.broadcast %add3A_48 : i32 to vector<16xi32>
      %add3A_50 = arith.addi %broadcast_in_dim3A_13, %add3A_49 : vector<16xi32>
      %gt3A_51 = arith.cmpf ogt, %get3A_47, %select_n3A_36 : vector<16xf32>
      %select_n3A_52 = arith.select %gt3A_51, %get3A_47, %select_n3A_36 : vector<16xi1>, vector<16xf32>
      %select_n3A_53 = arith.select %gt3A_51, %add3A_50, %select_n3A_37 : vector<16xi1>, vector<16xi32>
      %select_n3A_54 = arith.select %gt3A_51, %select_n3A_36, %get3A_47 : vector<16xi1>, vector<16xf32>
      %select_n3A_55 = arith.select %gt3A_51, %select_n3A_37, %add3A_50 : vector<16xi1>, vector<16xi32>
      %gt3A_56 = arith.cmpf ogt, %select_n3A_54, %select_n3A_41 : vector<16xf32>
      %select_n3A_57 = arith.select %gt3A_56, %select_n3A_54, %select_n3A_41 : vector<16xi1>, vector<16xf32>
      %select_n3A_58 = arith.select %gt3A_56, %select_n3A_55, %select_n3A_42 : vector<16xi1>, vector<16xi32>
      %get3A_59 = arith.constant 3 : i32
      %get3A_60 = arith.index_cast %get3A_59 : i32 to index
      %get3A_61 = arith.index_cast %mul3A_10 : i32 to index
      %get3A_62 = tpu.vector_load %arg7[%get3A_60, %get3A_61] {strides = array<i32>} : memref<64x1024xf32, #tpu.memory_space<vmem>>, vector<1x16xf32>,
      %get3A_63 = vector.shape_cast %get3A_62 : vector<1x16xf32> to vector<16xf32>
      %add3A_64 = arith.constant 3 : i32
      %add3A_65 = vector.broadcast %add3A_64 : i32 to vector<16xi32>
      %add3A_66 = arith.addi %broadcast_in_dim3A_13, %add3A_65 : vector<16xi32>
      %gt3A_67 = arith.cmpf ogt, %get3A_63, %select_n3A_52 : vector<16xf32>
      %select_n3A_68 = arith.select %gt3A_67, %get3A_63, %select_n3A_52 : vector<16xi1>, vector<16xf32>
      %select_n3A_69 = arith.select %gt3A_67, %add3A_66, %select_n3A_53 : vector<16xi1>, vector<16xi32>
      %select_n3A_70 = arith.select %gt3A_67, %select_n3A_52, %get3A_63 : vector<16xi1>, vector<16xf32>
      %select_n3A_71 = arith.select %gt3A_67, %select_n3A_53, %add3A_66 : vector<16xi1>, vector<16xi32>
      %gt3A_72 = arith.cmpf ogt, %select_n3A_70, %select_n3A_57 : vector<16xf32>
      %select_n3A_73 = arith.select %gt3A_72, %select_n3A_70, %select_n3A_57 : vector<16xi1>, vector<16xf32>
      %select_n3A_74 = arith.select %gt3A_72, %select_n3A_71, %select_n3A_58 : vector<16xi1>, vector<16xi32>
      %get3A_75 = arith.constant 4 : i32
      %get3A_76 = arith.index_cast %get3A_75 : i32 to index
      %get3A_77 = arith.index_cast %mul3A_10 : i32 to index
      %get3A_78 = tpu.vector_load %arg7[%get3A_76, %get3A_77] {strides = array<i32>} : memref<64x1024xf32, #tpu.memory_space<vmem>>, vector<1x16xf32>,
      %get3A_79 = vector.shape_cast %get3A_78 : vector<1x16xf32> to vector<16xf32>
      %add3A_80 = arith.constant 4 : i32
      %add3A_81 = vector.broadcast %add3A_80 : i32 to vector<16xi32>
      %add3A_82 = arith.addi %broadcast_in_dim3A_13, %add3A_81 : vector<16xi32>
      %gt3A_83 = arith.cmpf ogt, %get3A_79, %select_n3A_68 : vector<16xf32>
      %select_n3A_84 = arith.select %gt3A_83, %get3A_79, %select_n3A_68 : vector<16xi1>, vector<16xf32>
      %select_n3A_85 = arith.select %gt3A_83, %add3A_82, %select_n3A_69 : vector<16xi1>, vector<16xi32>
      %select_n3A_86 = arith.select %gt3A_83, %select_n3A_68, %get3A_79 : vector<16xi1>, vector<16xf32>
      %select_n3A_87 = arith.select %gt3A_83, %select_n3A_69, %add3A_82 : vector<16xi1>, vector<16xi32>
      %gt3A_88 = arith.cmpf ogt, %select_n3A_86, %select_n3A_73 : vector<16xf32>
      %select_n3A_89 = arith.select %gt3A_88, %select_n3A_86, %select_n3A_73 : vector<16xi1>, vector<16xf32>
      %select_n3A_90 = arith.select %gt3A_88, %select_n3A_87, %select_n3A_74 : vector<16xi1>, vector<16xi32>
      %get3A_91 = arith.constant 5 : i32
      %get3A_92 = arith.index_cast %get3A_91 : i32 to index
      %get3A_93 = arith.index_cast %mul3A_10 : i32 to index
      %get3A_94 = tpu.vector_load %arg7[%get3A_92, %get3A_93] {strides = array<i32>} : memref<64x1024xf32, #tpu.memory_space<vmem>>, vector<1x16xf32>,
      %get3A_95 = vector.shape_cast %get3A_94 : vector<1x16xf32> to vector<16xf32>
      %add3A_96 = arith.constant 5 : i32
      %add3A_97 = vector.broadcast %add3A_96 : i32 to vector<16xi32>
      %add3A_98 = arith.addi %broadcast_in_dim3A_13, %add3A_97 : vector<16xi32>
      %gt3A_99 = arith.cmpf ogt, %get3A_95, %select_n3A_84 : vector<16xf32>
      %select_n3A_100 = arith.select %gt3A_99, %get3A_95, %select_n3A_84 : vector<16xi1>, vector<16xf32>
      %select_n3A_101 = arith.select %gt3A_99, %add3A_98, %select_n3A_85 : vector<16xi1>, vector<16xi32>
      %select_n3A_102 = arith.select %gt3A_99, %select_n3A_84, %get3A_95 : vector<16xi1>, vector<16xf32>
      %select_n3A_103 = arith.select %gt3A_99, %select_n3A_85, %add3A_98 : vector<16xi1>, vector<16xi32>
      %gt3A_104 = arith.cmpf ogt, %select_n3A_102, %select_n3A_89 : vector<16xf32>
      %select_n3A_105 = arith.select %gt3A_104, %select_n3A_102, %select_n3A_89 : vector<16xi1>, vector<16xf32>
      %select_n3A_106 = arith.select %gt3A_104, %select_n3A_103, %select_n3A_90 : vector<16xi1>, vector<16xi32>
      %get3A_107 = arith.constant 6 : i32
      %get3A_108 = arith.index_cast %get3A_107 : i32 to index
      %get3A_109 = arith.index_cast %mul3A_10 : i32 to index
      %get3A_110 = tpu.vector_load %arg7[%get3A_108, %get3A_109] {strides = array<i32>} : memref<64x1024xf32, #tpu.memory_space<vmem>>, vector<1x16xf32>,
      %get3A_111 = vector.shape_cast %get3A_110 : vector<1x16xf32> to vector<16xf32>
      %add3A_112 = arith.constant 6 : i32
      %add3A_113 = vector.broadcast %add3A_112 : i32 to vector<16xi32>
      %add3A_114 = arith.addi %broadcast_in_dim3A_13, %add3A_113 : vector<16xi32>
      %gt3A_115 = arith.cmpf ogt, %get3A_111, %select_n3A_100 : vector<16xf32>
      %select_n3A_116 = arith.select %gt3A_115, %get3A_111, %select_n3A_100 : vector<16xi1>, vector<16xf32>
      %select_n3A_117 = arith.select %gt3A_115, %add3A_114, %select_n3A_101 : vector<16xi1>, vector<16xi32>
      %select_n3A_118 = arith.select %gt3A_115, %select_n3A_100, %get3A_111 : vector<16xi1>, vector<16xf32>
      %select_n3A_119 = arith.select %gt3A_115, %select_n3A_101, %add3A_114 : vector<16xi1>, vector<16xi32>
      %gt3A_120 = arith.cmpf ogt, %select_n3A_118, %select_n3A_105 : vector<16xf32>
      %select_n3A_121 = arith.select %gt3A_120, %select_n3A_118, %select_n3A_105 : vector<16xi1>, vector<16xf32>
      %select_n3A_122 = arith.select %gt3A_120, %select_n3A_119, %select_n3A_106 : vector<16xi1>, vector<16xi32>
      %get3A_123 = arith.constant 7 : i32
      %get3A_124 = arith.index_cast %get3A_123 : i32 to index
      %get3A_125 = arith.index_cast %mul3A_10 : i32 to index
      %get3A_126 = tpu.vector_load %arg7[%get3A_124, %get3A_125] {strides = array<i32>} : memref<64x1024xf32, #tpu.memory_space<vmem>>, vector<1x16xf32>,
      %get3A_127 = vector.shape_cast %get3A_126 : vector<1x16xf32> to vector<16xf32>
      %add3A_128 = arith.constant 7 : i32
      %add3A_129 = vector.broadcast %add3A_128 : i32 to vector<16xi32>
      %add3A_130 = arith.addi %broadcast_in_dim3A_13, %add3A_129 : vector<16xi32>
      %gt3A_131 = arith.cmpf ogt, %get3A_127, %select_n3A_116 : vector<16xf32>
      %select_n3A_132 = arith.select %gt3A_131, %get3A_127, %select_n3A_116 : vector<16xi1>, vector<16xf32>
      %select_n3A_133 = arith.select %gt3A_131, %add3A_130, %select_n3A_117 : vector<16xi1>, vector<16xi32>
      %select_n3A_134 = arith.select %gt3A_131, %select_n3A_116, %get3A_127 : vector<16xi1>, vector<16xf32>
      %select_n3A_135 = arith.select %gt3A_131, %select_n3A_117, %add3A_130 : vector<16xi1>, vector<16xi32>
      %gt3A_136 = arith.cmpf ogt, %select_n3A_134, %select_n3A_121 : vector<16xf32>
      %select_n3A_137 = arith.select %gt3A_136, %select_n3A_134, %select_n3A_121 : vector<16xi1>, vector<16xf32>
      %select_n3A_138 = arith.select %gt3A_136, %select_n3A_135, %select_n3A_122 : vector<16xi1>, vector<16xi32>
      %get3A_139 = arith.constant 8 : i32
      %get3A_140 = arith.index_cast %get3A_139 : i32 to index
      %get3A_141 = arith.index_cast %mul3A_10 : i32 to index
      %get3A_142 = tpu.vector_load %arg7[%get3A_140, %get3A_141] {strides = array<i32>} : memref<64x1024xf32, #tpu.memory_space<vmem>>, vector<1x16xf32>,
      %get3A_143 = vector.shape_cast %get3A_142 : vector<1x16xf32> to vector<16xf32>
      %add3A_144 = arith.constant 8 : i32
      %add3A_145 = vector.broadcast %add3A_144 : i32 to vector<16xi32>
      %add3A_146 = arith.addi %broadcast_in_dim3A_13, %add3A_145 : vector<16xi32>
      %gt3A_147 = arith.cmpf ogt, %get3A_143, %select_n3A_132 : vector<16xf32>
      %select_n3A_148 = arith.select %gt3A_147, %get3A_143, %select_n3A_132 : vector<16xi1>, vector<16xf32>
      %select_n3A_149 = arith.select %gt3A_147, %add3A_146, %select_n3A_133 : vector<16xi1>, vector<16xi32>
      %select_n3A_150 = arith.select %gt3A_147, %select_n3A_132, %get3A_143 : vector<16xi1>, vector<16xf32>
      %select_n3A_151 = arith.select %gt3A_147, %select_n3A_133, %add3A_146 : vector<16xi1>, vector<16xi32>
      %gt3A_152 = arith.cmpf ogt, %select_n3A_150, %select_n3A_137 : vector<16xf32>
      %select_n3A_153 = arith.select %gt3A_152, %select_n3A_150, %select_n3A_137 : vector<16xi1>, vector<16xf32>
      %select_n3A_154 = arith.select %gt3A_152, %select_n3A_151, %select_n3A_138 : vector<16xi1>, vector<16xi32>
      %get3A_155 = arith.constant 9 : i32
      %get3A_156 = arith.index_cast %get3A_155 : i32 to index
      %get3A_157 = arith.index_cast %mul3A_10 : i32 to index
      %get3A_158 = tpu.vector_load %arg7[%get3A_156, %get3A_157] {strides = array<i32>} : memref<64x1024xf32, #tpu.memory_space<vmem>>, vector<1x16xf32>,
      %get3A_159 = vector.shape_cast %get3A_158 : vector<1x16xf32> to vector<16xf32>
      %add3A_160 = arith.constant 9 : i32
      %add3A_161 = vector.broadcast %add3A_160 : i32 to vector<16xi32>
      %add3A_162 = arith.addi %broadcast_in_dim3A_13, %add3A_161 : vector<16xi32>
      %gt3A_163 = arith.cmpf ogt, %get3A_159, %select_n3A_148 : vector<16xf32>
      %select_n3A_164 = arith.select %gt3A_163, %get3A_159, %select_n3A_148 : vector<16xi1>, vector<16xf32>
      %select_n3A_165 = arith.select %gt3A_163, %add3A_162, %select_n3A_149 : vector<16xi1>, vector<16xi32>
      %select_n3A_166 = arith.select %gt3A_163, %select_n3A_148, %get3A_159 : vector<16xi1>, vector<16xf32>
      %select_n3A_167 = arith.select %gt3A_163, %select_n3A_149, %add3A_162 : vector<16xi1>, vector<16xi32>
      %gt3A_168 = arith.cmpf ogt, %select_n3A_166, %select_n3A_153 : vector<16xf32>
      %select_n3A_169 = arith.select %gt3A_168, %select_n3A_166, %select_n3A_153 : vector<16xi1>, vector<16xf32>
      %select_n3A_170 = arith.select %gt3A_168, %select_n3A_167, %select_n3A_154 : vector<16xi1>, vector<16xi32>
      %get3A_171 = arith.constant 10 : i32
      %get3A_172 = arith.index_cast %get3A_171 : i32 to index
      %get3A_173 = arith.index_cast %mul3A_10 : i32 to index
      %get3A_174 = tpu.vector_load %arg7[%get3A_172, %get3A_173] {strides = array<i32>} : memref<64x1024xf32, #tpu.memory_space<vmem>>, vector<1x16xf32>,
      %get3A_175 = vector.shape_cast %get3A_174 : vector<1x16xf32> to vector<16xf32>
      %add3A_176 = arith.constant 10 : i32
      %add3A_177 = vector.broadcast %add3A_176 : i32 to vector<16xi32>
      %add3A_178 = arith.addi %broadcast_in_dim3A_13, %add3A_177 : vector<16xi32>
      %gt3A_179 = arith.cmpf ogt, %get3A_175, %select_n3A_164 : vector<16xf32>
      %select_n3A_180 = arith.select %gt3A_179, %get3A_175, %select_n3A_164 : vector<16xi1>, vector<16xf32>
      %select_n3A_181 = arith.select %gt3A_179, %add3A_178, %select_n3A_165 : vector<16xi1>, vector<16xi32>
      %select_n3A_182 = arith.select %gt3A_179, %select_n3A_164, %get3A_175 : vector<16xi1>, vector<16xf32>
      %select_n3A_183 = arith.select %gt3A_179, %select_n3A_165, %add3A_178 : vector<16xi1>, vector<16xi32>
      %gt3A_184 = arith.cmpf ogt, %select_n3A_182, %select_n3A_169 : vector<16xf32>
      %select_n3A_185 = arith.select %gt3A_184, %select_n3A_182, %select_n3A_169 : vector<16xi1>, vector<16xf32>
      %select_n3A_186 = arith.select %gt3A_184, %select_n3A_183, %select_n3A_170 : vector<16xi1>, vector<16xi32>
      %get3A_187 = arith.constant 11 : i32
      %get3A_188 = arith.index_cast %get3A_187 : i32 to index
      %get3A_189 = arith.index_cast %mul3A_10 : i32 to index
      %get3A_190 = tpu.vector_load %arg7[%get3A_188, %get3A_189] {strides = array<i32>} : memref<64x1024xf32, #tpu.memory_space<vmem>>, vector<1x16xf32>,
      %get3A_191 = vector.shape_cast %get3A_190 : vector<1x16xf32> to vector<16xf32>
      %add3A_192 = arith.constant 11 : i32
      %add3A_193 = vector.broadcast %add3A_192 : i32 to vector<16xi32>
      %add3A_194 = arith.addi %broadcast_in_dim3A_13, %add3A_193 : vector<16xi32>
      %gt3A_195 = arith.cmpf ogt, %get3A_191, %select_n3A_180 : vector<16xf32>
      %select_n3A_196 = arith.select %gt3A_195, %get3A_191, %select_n3A_180 : vector<16xi1>, vector<16xf32>
      %select_n3A_197 = arith.select %gt3A_195, %add3A_194, %select_n3A_181 : vector<16xi1>, vector<16xi32>
      %select_n3A_198 = arith.select %gt3A_195, %select_n3A_180, %get3A_191 : vector<16xi1>, vector<16xf32>
      %select_n3A_199 = arith.select %gt3A_195, %select_n3A_181, %add3A_194 : vector<16xi1>, vector<16xi32>
      %gt3A_200 = arith.cmpf ogt, %select_n3A_198, %select_n3A_185 : vector<16xf32>
      %select_n3A_201 = arith.select %gt3A_200, %select_n3A_198, %select_n3A_185 : vector<16xi1>, vector<16xf32>
      %select_n3A_202 = arith.select %gt3A_200, %select_n3A_199, %select_n3A_186 : vector<16xi1>, vector<16xi32>
      %get3A_203 = arith.constant 12 : i32
      %get3A_204 = arith.index_cast %get3A_203 : i32 to index
      %get3A_205 = arith.index_cast %mul3A_10 : i32 to index
      %get3A_206 = tpu.vector_load %arg7[%get3A_204, %get3A_205] {strides = array<i32>} : memref<64x1024xf32, #tpu.memory_space<vmem>>, vector<1x16xf32>,
      %get3A_207 = vector.shape_cast %get3A_206 : vector<1x16xf32> to vector<16xf32>
      %add3A_208 = arith.constant 12 : i32
      %add3A_209 = vector.broadcast %add3A_208 : i32 to vector<16xi32>
      %add3A_210 = arith.addi %broadcast_in_dim3A_13, %add3A_209 : vector<16xi32>
      %gt3A_211 = arith.cmpf ogt, %get3A_207, %select_n3A_196 : vector<16xf32>
      %select_n3A_212 = arith.select %gt3A_211, %get3A_207, %select_n3A_196 : vector<16xi1>, vector<16xf32>
      %select_n3A_213 = arith.select %gt3A_211, %add3A_210, %select_n3A_197 : vector<16xi1>, vector<16xi32>
      %select_n3A_214 = arith.select %gt3A_211, %select_n3A_196, %get3A_207 : vector<16xi1>, vector<16xf32>
      %select_n3A_215 = arith.select %gt3A_211, %select_n3A_197, %add3A_210 : vector<16xi1>, vector<16xi32>
      %gt3A_216 = arith.cmpf ogt, %select_n3A_214, %select_n3A_201 : vector<16xf32>
      %select_n3A_217 = arith.select %gt3A_216, %select_n3A_214, %select_n3A_201 : vector<16xi1>, vector<16xf32>
      %select_n3A_218 = arith.select %gt3A_216, %select_n3A_215, %select_n3A_202 : vector<16xi1>, vector<16xi32>
      %get3A_219 = arith.constant 13 : i32
      %get3A_220 = arith.index_cast %get3A_219 : i32 to index
      %get3A_221 = arith.index_cast %mul3A_10 : i32 to index
      %get3A_222 = tpu.vector_load %arg7[%get3A_220, %get3A_221] {strides = array<i32>} : memref<64x1024xf32, #tpu.memory_space<vmem>>, vector<1x16xf32>,
      %get3A_223 = vector.shape_cast %get3A_222 : vector<1x16xf32> to vector<16xf32>
      %add3A_224 = arith.constant 13 : i32
      %add3A_225 = vector.broadcast %add3A_224 : i32 to vector<16xi32>
      %add3A_226 = arith.addi %broadcast_in_dim3A_13, %add3A_225 : vector<16xi32>
      %gt3A_227 = arith.cmpf ogt, %get3A_223, %select_n3A_212 : vector<16xf32>
      %select_n3A_228 = arith.select %gt3A_227, %get3A_223, %select_n3A_212 : vector<16xi1>, vector<16xf32>
      %select_n3A_229 = arith.select %gt3A_227, %add3A_226, %select_n3A_213 : vector<16xi1>, vector<16xi32>
      %select_n3A_230 = arith.select %gt3A_227, %select_n3A_212, %get3A_223 : vector<16xi1>, vector<16xf32>
      %select_n3A_231 = arith.select %gt3A_227, %select_n3A_213, %add3A_226 : vector<16xi1>, vector<16xi32>
      %gt3A_232 = arith.cmpf ogt, %select_n3A_230, %select_n3A_217 : vector<16xf32>
      %select_n3A_233 = arith.select %gt3A_232, %select_n3A_230, %select_n3A_217 : vector<16xi1>, vector<16xf32>
      %select_n3A_234 = arith.select %gt3A_232, %select_n3A_231, %select_n3A_218 : vector<16xi1>, vector<16xi32>
      %get3A_235 = arith.constant 14 : i32
      %get3A_236 = arith.index_cast %get3A_235 : i32 to index
      %get3A_237 = arith.index_cast %mul3A_10 : i32 to index
      %get3A_238 = tpu.vector_load %arg7[%get3A_236, %get3A_237] {strides = array<i32>} : memref<64x1024xf32, #tpu.memory_space<vmem>>, vector<1x16xf32>,
      %get3A_239 = vector.shape_cast %get3A_238 : vector<1x16xf32> to vector<16xf32>
      %add3A_240 = arith.constant 14 : i32
      %add3A_241 = vector.broadcast %add3A_240 : i32 to vector<16xi32>
      %add3A_242 = arith.addi %broadcast_in_dim3A_13, %add3A_241 : vector<16xi32>
      %gt3A_243 = arith.cmpf ogt, %get3A_239, %select_n3A_228 : vector<16xf32>
      %select_n3A_244 = arith.select %gt3A_243, %get3A_239, %select_n3A_228 : vector<16xi1>, vector<16xf32>
      %select_n3A_245 = arith.select %gt3A_243, %add3A_242, %select_n3A_229 : vector<16xi1>, vector<16xi32>
      %select_n3A_246 = arith.select %gt3A_243, %select_n3A_228, %get3A_239 : vector<16xi1>, vector<16xf32>
      %select_n3A_247 = arith.select %gt3A_243, %select_n3A_229, %add3A_242 : vector<16xi1>, vector<16xi32>
      %gt3A_248 = arith.cmpf ogt, %select_n3A_246, %select_n3A_233 : vector<16xf32>
      %select_n3A_249 = arith.select %gt3A_248, %select_n3A_246, %select_n3A_233 : vector<16xi1>, vector<16xf32>
      %select_n3A_250 = arith.select %gt3A_248, %select_n3A_247, %select_n3A_234 : vector<16xi1>, vector<16xi32>
      %get3A_251 = arith.constant 15 : i32
      %get3A_252 = arith.index_cast %get3A_251 : i32 to index
      %get3A_253 = arith.index_cast %mul3A_10 : i32 to index
      %get3A_254 = tpu.vector_load %arg7[%get3A_252, %get3A_253] {strides = array<i32>} : memref<64x1024xf32, #tpu.memory_space<vmem>>, vector<1x16xf32>,
      %get3A_255 = vector.shape_cast %get3A_254 : vector<1x16xf32> to vector<16xf32>
      %add3A_256 = arith.constant 15 : i32
      %add3A_257 = vector.broadcast %add3A_256 : i32 to vector<16xi32>
      %add3A_258 = arith.addi %broadcast_in_dim3A_13, %add3A_257 : vector<16xi32>
      %gt3A_259 = arith.cmpf ogt, %get3A_255, %select_n3A_244 : vector<16xf32>
      %select_n3A_260 = arith.select %gt3A_259, %get3A_255, %select_n3A_244 : vector<16xi1>, vector<16xf32>
      %select_n3A_261 = arith.select %gt3A_259, %add3A_258, %select_n3A_245 : vector<16xi1>, vector<16xi32>
      %select_n3A_262 = arith.select %gt3A_259, %select_n3A_244, %get3A_255 : vector<16xi1>, vector<16xf32>
      %select_n3A_263 = arith.select %gt3A_259, %select_n3A_245, %add3A_258 : vector<16xi1>, vector<16xi32>
      %gt3A_264 = arith.cmpf ogt, %select_n3A_262, %select_n3A_249 : vector<16xf32>
      %select_n3A_265 = arith.select %gt3A_264, %select_n3A_262, %select_n3A_249 : vector<16xi1>, vector<16xf32>
      %select_n3A_266 = arith.select %gt3A_264, %select_n3A_263, %select_n3A_250 : vector<16xi1>, vector<16xi32>
      %get3A_267 = arith.constant 16 : i32
      %get3A_268 = arith.index_cast %get3A_267 : i32 to index
      %get3A_269 = arith.index_cast %mul3A_10 : i32 to index
      %get3A_270 = tpu.vector_load %arg7[%get3A_268, %get3A_269] {strides = array<i32>} : memref<64x1024xf32, #tpu.memory_space<vmem>>, vector<1x16xf32>,
      %get3A_271 = vector.shape_cast %get3A_270 : vector<1x16xf32> to vector<16xf32>
      %add3A_272 = arith.constant 16 : i32
      %add3A_273 = vector.broadcast %add3A_272 : i32 to vector<16xi32>
      %add3A_274 = arith.addi %broadcast_in_dim3A_13, %add3A_273 : vector<16xi32>
      %gt3A_275 = arith.cmpf ogt, %get3A_271, %select_n3A_260 : vector<16xf32>
      %select_n3A_276 = arith.select %gt3A_275, %get3A_271, %select_n3A_260 : vector<16xi1>, vector<16xf32>
      %select_n3A_277 = arith.select %gt3A_275, %add3A_274, %select_n3A_261 : vector<16xi1>, vector<16xi32>
      %select_n3A_278 = arith.select %gt3A_275, %select_n3A_260, %get3A_271 : vector<16xi1>, vector<16xf32>
      %select_n3A_279 = arith.select %gt3A_275, %select_n3A_261, %add3A_274 : vector<16xi1>, vector<16xi32>
      %gt3A_280 = arith.cmpf ogt, %select_n3A_278, %select_n3A_265 : vector<16xf32>
      %select_n3A_281 = arith.select %gt3A_280, %select_n3A_278, %select_n3A_265 : vector<16xi1>, vector<16xf32>
      %select_n3A_282 = arith.select %gt3A_280, %select_n3A_279, %select_n3A_266 : vector<16xi1>, vector<16xi32>
      %get3A_283 = arith.constant 17 : i32
      %get3A_284 = arith.index_cast %get3A_283 : i32 to index
      %get3A_285 = arith.index_cast %mul3A_10 : i32 to index
      %get3A_286 = tpu.vector_load %arg7[%get3A_284, %get3A_285] {strides = array<i32>} : memref<64x1024xf32, #tpu.memory_space<vmem>>, vector<1x16xf32>,
      %get3A_287 = vector.shape_cast %get3A_286 : vector<1x16xf32> to vector<16xf32>
      %add3A_288 = arith.constant 17 : i32
      %add3A_289 = vector.broadcast %add3A_288 : i32 to vector<16xi32>
      %add3A_290 = arith.addi %broadcast_in_dim3A_13, %add3A_289 : vector<16xi32>
      %gt3A_291 = arith.cmpf ogt, %get3A_287, %select_n3A_276 : vector<16xf32>
      %select_n3A_292 = arith.select %gt3A_291, %get3A_287, %select_n3A_276 : vector<16xi1>, vector<16xf32>
      %select_n3A_293 = arith.select %gt3A_291, %add3A_290, %select_n3A_277 : vector<16xi1>, vector<16xi32>
      %select_n3A_294 = arith.select %gt3A_291, %select_n3A_276, %get3A_287 : vector<16xi1>, vector<16xf32>
      %select_n3A_295 = arith.select %gt3A_291, %select_n3A_277, %add3A_290 : vector<16xi1>, vector<16xi32>
      %gt3A_296 = arith.cmpf ogt, %select_n3A_294, %select_n3A_281 : vector<16xf32>
      %select_n3A_297 = arith.select %gt3A_296, %select_n3A_294, %select_n3A_281 : vector<16xi1>, vector<16xf32>
      %select_n3A_298 = arith.select %gt3A_296, %select_n3A_295, %select_n3A_282 : vector<16xi1>, vector<16xi32>
      %get3A_299 = arith.constant 18 : i32
      %get3A_300 = arith.index_cast %get3A_299 : i32 to index
      %get3A_301 = arith.index_cast %mul3A_10 : i32 to index
      %get3A_302 = tpu.vector_load %arg7[%get3A_300, %get3A_301] {strides = array<i32>} : memref<64x1024xf32, #tpu.memory_space<vmem>>, vector<1x16xf32>,
      %get3A_303 = vector.shape_cast %get3A_302 : vector<1x16xf32> to vector<16xf32>
      %add3A_304 = arith.constant 18 : i32
      %add3A_305 = vector.broadcast %add3A_304 : i32 to vector<16xi32>
      %add3A_306 = arith.addi %broadcast_in_dim3A_13, %add3A_305 : vector<16xi32>
      %gt3A_307 = arith.cmpf ogt, %get3A_303, %select_n3A_292 : vector<16xf32>
      %select_n3A_308 = arith.select %gt3A_307, %get3A_303, %select_n3A_292 : vector<16xi1>, vector<16xf32>
      %select_n3A_309 = arith.select %gt3A_307, %add3A_306, %select_n3A_293 : vector<16xi1>, vector<16xi32>
      %select_n3A_310 = arith.select %gt3A_307, %select_n3A_292, %get3A_303 : vector<16xi1>, vector<16xf32>
      %select_n3A_311 = arith.select %gt3A_307, %select_n3A_293, %add3A_306 : vector<16xi1>, vector<16xi32>
      %gt3A_312 = arith.cmpf ogt, %select_n3A_310, %select_n3A_297 : vector<16xf32>
      %select_n3A_313 = arith.select %gt3A_312, %select_n3A_310, %select_n3A_297 : vector<16xi1>, vector<16xf32>
      %select_n3A_314 = arith.select %gt3A_312, %select_n3A_311, %select_n3A_298 : vector<16xi1>, vector<16xi32>
      %get3A_315 = arith.constant 19 : i32
      %get3A_316 = arith.index_cast %get3A_315 : i32 to index
      %get3A_317 = arith.index_cast %mul3A_10 : i32 to index
      %get3A_318 = tpu.vector_load %arg7[%get3A_316, %get3A_317] {strides = array<i32>} : memref<64x1024xf32, #tpu.memory_space<vmem>>, vector<1x16xf32>,
      %get3A_319 = vector.shape_cast %get3A_318 : vector<1x16xf32> to vector<16xf32>
      %add3A_320 = arith.constant 19 : i32
      %add3A_321 = vector.broadcast %add3A_320 : i32 to vector<16xi32>
      %add3A_322 = arith.addi %broadcast_in_dim3A_13, %add3A_321 : vector<16xi32>
      %gt3A_323 = arith.cmpf ogt, %get3A_319, %select_n3A_308 : vector<16xf32>
      %select_n3A_324 = arith.select %gt3A_323, %get3A_319, %select_n3A_308 : vector<16xi1>, vector<16xf32>
      %select_n3A_325 = arith.select %gt3A_323, %add3A_322, %select_n3A_309 : vector<16xi1>, vector<16xi32>
      %select_n3A_326 = arith.select %gt3A_323, %select_n3A_308, %get3A_319 : vector<16xi1>, vector<16xf32>
      %select_n3A_327 = arith.select %gt3A_323, %select_n3A_309, %add3A_322 : vector<16xi1>, vector<16xi32>
      %gt3A_328 = arith.cmpf ogt, %select_n3A_326, %select_n3A_313 : vector<16xf32>
      %select_n3A_329 = arith.select %gt3A_328, %select_n3A_326, %select_n3A_313 : vector<16xi1>, vector<16xf32>
      %select_n3A_330 = arith.select %gt3A_328, %select_n3A_327, %select_n3A_314 : vector<16xi1>, vector<16xi32>
      %get3A_331 = arith.constant 20 : i32
      %get3A_332 = arith.index_cast %get3A_331 : i32 to index
      %get3A_333 = arith.index_cast %mul3A_10 : i32 to index
      %get3A_334 = tpu.vector_load %arg7[%get3A_332, %get3A_333] {strides = array<i32>} : memref<64x1024xf32, #tpu.memory_space<vmem>>, vector<1x16xf32>,
      %get3A_335 = vector.shape_cast %get3A_334 : vector<1x16xf32> to vector<16xf32>
      %add3A_336 = arith.constant 20 : i32
      %add3A_337 = vector.broadcast %add3A_336 : i32 to vector<16xi32>
      %add3A_338 = arith.addi %broadcast_in_dim3A_13, %add3A_337 : vector<16xi32>
      %gt3A_339 = arith.cmpf ogt, %get3A_335, %select_n3A_324 : vector<16xf32>
      %select_n3A_340 = arith.select %gt3A_339, %get3A_335, %select_n3A_324 : vector<16xi1>, vector<16xf32>
      %select_n3A_341 = arith.select %gt3A_339, %add3A_338, %select_n3A_325 : vector<16xi1>, vector<16xi32>
      %select_n3A_342 = arith.select %gt3A_339, %select_n3A_324, %get3A_335 : vector<16xi1>, vector<16xf32>
      %select_n3A_343 = arith.select %gt3A_339, %select_n3A_325, %add3A_338 : vector<16xi1>, vector<16xi32>
      %gt3A_344 = arith.cmpf ogt, %select_n3A_342, %select_n3A_329 : vector<16xf32>
      %select_n3A_345 = arith.select %gt3A_344, %select_n3A_342, %select_n3A_329 : vector<16xi1>, vector<16xf32>
      %select_n3A_346 = arith.select %gt3A_344, %select_n3A_343, %select_n3A_330 : vector<16xi1>, vector<16xi32>
      %get3A_347 = arith.constant 21 : i32
      %get3A_348 = arith.index_cast %get3A_347 : i32 to index
      %get3A_349 = arith.index_cast %mul3A_10 : i32 to index
      %get3A_350 = tpu.vector_load %arg7[%get3A_348, %get3A_349] {strides = array<i32>} : memref<64x1024xf32, #tpu.memory_space<vmem>>, vector<1x16xf32>,
      %get3A_351 = vector.shape_cast %get3A_350 : vector<1x16xf32> to vector<16xf32>
      %add3A_352 = arith.constant 21 : i32
      %add3A_353 = vector.broadcast %add3A_352 : i32 to vector<16xi32>
      %add3A_354 = arith.addi %broadcast_in_dim3A_13, %add3A_353 : vector<16xi32>
      %gt3A_355 = arith.cmpf ogt, %get3A_351, %select_n3A_340 : vector<16xf32>
      %select_n3A_356 = arith.select %gt3A_355, %get3A_351, %select_n3A_340 : vector<16xi1>, vector<16xf32>
      %select_n3A_357 = arith.select %gt3A_355, %add3A_354, %select_n3A_341 : vector<16xi1>, vector<16xi32>
      %select_n3A_358 = arith.select %gt3A_355, %select_n3A_340, %get3A_351 : vector<16xi1>, vector<16xf32>
      %select_n3A_359 = arith.select %gt3A_355, %select_n3A_341, %add3A_354 : vector<16xi1>, vector<16xi32>
      %gt3A_360 = arith.cmpf ogt, %select_n3A_358, %select_n3A_345 : vector<16xf32>
      %select_n3A_361 = arith.select %gt3A_360, %select_n3A_358, %select_n3A_345 : vector<16xi1>, vector<16xf32>
      %select_n3A_362 = arith.select %gt3A_360, %select_n3A_359, %select_n3A_346 : vector<16xi1>, vector<16xi32>
      %get3A_363 = arith.constant 22 : i32
      %get3A_364 = arith.index_cast %get3A_363 : i32 to index
      %get3A_365 = arith.index_cast %mul3A_10 : i32 to index
      %get3A_366 = tpu.vector_load %arg7[%get3A_364, %get3A_365] {strides = array<i32>} : memref<64x1024xf32, #tpu.memory_space<vmem>>, vector<1x16xf32>,
      %get3A_367 = vector.shape_cast %get3A_366 : vector<1x16xf32> to vector<16xf32>
      %add3A_368 = arith.constant 22 : i32
      %add3A_369 = vector.broadcast %add3A_368 : i32 to vector<16xi32>
      %add3A_370 = arith.addi %broadcast_in_dim3A_13, %add3A_369 : vector<16xi32>
      %gt3A_371 = arith.cmpf ogt, %get3A_367, %select_n3A_356 : vector<16xf32>
      %select_n3A_372 = arith.select %gt3A_371, %get3A_367, %select_n3A_356 : vector<16xi1>, vector<16xf32>
      %select_n3A_373 = arith.select %gt3A_371, %add3A_370, %select_n3A_357 : vector<16xi1>, vector<16xi32>
      %select_n3A_374 = arith.select %gt3A_371, %select_n3A_356, %get3A_367 : vector<16xi1>, vector<16xf32>
      %select_n3A_375 = arith.select %gt3A_371, %select_n3A_357, %add3A_370 : vector<16xi1>, vector<16xi32>
      %gt3A_376 = arith.cmpf ogt, %select_n3A_374, %select_n3A_361 : vector<16xf32>
      %select_n3A_377 = arith.select %gt3A_376, %select_n3A_374, %select_n3A_361 : vector<16xi1>, vector<16xf32>
      %select_n3A_378 = arith.select %gt3A_376, %select_n3A_375, %select_n3A_362 : vector<16xi1>, vector<16xi32>
      %get3A_379 = arith.constant 23 : i32
      %get3A_380 = arith.index_cast %get3A_379 : i32 to index
      %get3A_381 = arith.index_cast %mul3A_10 : i32 to index
      %get3A_382 = tpu.vector_load %arg7[%get3A_380, %get3A_381] {strides = array<i32>} : memref<64x1024xf32, #tpu.memory_space<vmem>>, vector<1x16xf32>,
      %get3A_383 = vector.shape_cast %get3A_382 : vector<1x16xf32> to vector<16xf32>
      %add3A_384 = arith.constant 23 : i32
      %add3A_385 = vector.broadcast %add3A_384 : i32 to vector<16xi32>
      %add3A_386 = arith.addi %broadcast_in_dim3A_13, %add3A_385 : vector<16xi32>
      %gt3A_387 = arith.cmpf ogt, %get3A_383, %select_n3A_372 : vector<16xf32>
      %select_n3A_388 = arith.select %gt3A_387, %get3A_383, %select_n3A_372 : vector<16xi1>, vector<16xf32>
      %select_n3A_389 = arith.select %gt3A_387, %add3A_386, %select_n3A_373 : vector<16xi1>, vector<16xi32>
      %select_n3A_390 = arith.select %gt3A_387, %select_n3A_372, %get3A_383 : vector<16xi1>, vector<16xf32>
      %select_n3A_391 = arith.select %gt3A_387, %select_n3A_373, %add3A_386 : vector<16xi1>, vector<16xi32>
      %gt3A_392 = arith.cmpf ogt, %select_n3A_390, %select_n3A_377 : vector<16xf32>
      %select_n3A_393 = arith.select %gt3A_392, %select_n3A_390, %select_n3A_377 : vector<16xi1>, vector<16xf32>
      %select_n3A_394 = arith.select %gt3A_392, %select_n3A_391, %select_n3A_378 : vector<16xi1>, vector<16xi32>
      %get3A_395 = arith.constant 24 : i32
      %get3A_396 = arith.index_cast %get3A_395 : i32 to index
      %get3A_397 = arith.index_cast %mul3A_10 : i32 to index
      %get3A_398 = tpu.vector_load %arg7[%get3A_396, %get3A_397] {strides = array<i32>} : memref<64x1024xf32, #tpu.memory_space<vmem>>, vector<1x16xf32>,
      %get3A_399 = vector.shape_cast %get3A_398 : vector<1x16xf32> to vector<16xf32>
      %add3A_400 = arith.constant 24 : i32
      %add3A_401 = vector.broadcast %add3A_400 : i32 to vector<16xi32>
      %add3A_402 = arith.addi %broadcast_in_dim3A_13, %add3A_401 : vector<16xi32>
      %gt3A_403 = arith.cmpf ogt, %get3A_399, %select_n3A_388 : vector<16xf32>
      %select_n3A_404 = arith.select %gt3A_403, %get3A_399, %select_n3A_388 : vector<16xi1>, vector<16xf32>
      %select_n3A_405 = arith.select %gt3A_403, %add3A_402, %select_n3A_389 : vector<16xi1>, vector<16xi32>
      %select_n3A_406 = arith.select %gt3A_403, %select_n3A_388, %get3A_399 : vector<16xi1>, vector<16xf32>
      %select_n3A_407 = arith.select %gt3A_403, %select_n3A_389, %add3A_402 : vector<16xi1>, vector<16xi32>
      %gt3A_408 = arith.cmpf ogt, %select_n3A_406, %select_n3A_393 : vector<16xf32>
      %select_n3A_409 = arith.select %gt3A_408, %select_n3A_406, %select_n3A_393 : vector<16xi1>, vector<16xf32>
      %select_n3A_410 = arith.select %gt3A_408, %select_n3A_407, %select_n3A_394 : vector<16xi1>, vector<16xi32>
      %get3A_411 = arith.constant 25 : i32
      %get3A_412 = arith.index_cast %get3A_411 : i32 to index
      %get3A_413 = arith.index_cast %mul3A_10 : i32 to index
      %get3A_414 = tpu.vector_load %arg7[%get3A_412, %get3A_413] {strides = array<i32>} : memref<64x1024xf32, #tpu.memory_space<vmem>>, vector<1x16xf32>,
      %get3A_415 = vector.shape_cast %get3A_414 : vector<1x16xf32> to vector<16xf32>
      %add3A_416 = arith.constant 25 : i32
      %add3A_417 = vector.broadcast %add3A_416 : i32 to vector<16xi32>
      %add3A_418 = arith.addi %broadcast_in_dim3A_13, %add3A_417 : vector<16xi32>
      %gt3A_419 = arith.cmpf ogt, %get3A_415, %select_n3A_404 : vector<16xf32>
      %select_n3A_420 = arith.select %gt3A_419, %get3A_415, %select_n3A_404 : vector<16xi1>, vector<16xf32>
      %select_n3A_421 = arith.select %gt3A_419, %add3A_418, %select_n3A_405 : vector<16xi1>, vector<16xi32>
      %select_n3A_422 = arith.select %gt3A_419, %select_n3A_404, %get3A_415 : vector<16xi1>, vector<16xf32>
      %select_n3A_423 = arith.select %gt3A_419, %select_n3A_405, %add3A_418 : vector<16xi1>, vector<16xi32>
      %gt3A_424 = arith.cmpf ogt, %select_n3A_422, %select_n3A_409 : vector<16xf32>
      %select_n3A_425 = arith.select %gt3A_424, %select_n3A_422, %select_n3A_409 : vector<16xi1>, vector<16xf32>
      %select_n3A_426 = arith.select %gt3A_424, %select_n3A_423, %select_n3A_410 : vector<16xi1>, vector<16xi32>
      %get3A_427 = arith.constant 26 : i32
      %get3A_428 = arith.index_cast %get3A_427 : i32 to index
      %get3A_429 = arith.index_cast %mul3A_10 : i32 to index
      %get3A_430 = tpu.vector_load %arg7[%get3A_428, %get3A_429] {strides = array<i32>} : memref<64x1024xf32, #tpu.memory_space<vmem>>, vector<1x16xf32>,
      %get3A_431 = vector.shape_cast %get3A_430 : vector<1x16xf32> to vector<16xf32>
      %add3A_432 = arith.constant 26 : i32
      %add3A_433 = vector.broadcast %add3A_432 : i32 to vector<16xi32>
      %add3A_434 = arith.addi %broadcast_in_dim3A_13, %add3A_433 : vector<16xi32>
      %gt3A_435 = arith.cmpf ogt, %get3A_431, %select_n3A_420 : vector<16xf32>
      %select_n3A_436 = arith.select %gt3A_435, %get3A_431, %select_n3A_420 : vector<16xi1>, vector<16xf32>
      %select_n3A_437 = arith.select %gt3A_435, %add3A_434, %select_n3A_421 : vector<16xi1>, vector<16xi32>
      %select_n3A_438 = arith.select %gt3A_435, %select_n3A_420, %get3A_431 : vector<16xi1>, vector<16xf32>
      %select_n3A_439 = arith.select %gt3A_435, %select_n3A_421, %add3A_434 : vector<16xi1>, vector<16xi32>
      %gt3A_440 = arith.cmpf ogt, %select_n3A_438, %select_n3A_425 : vector<16xf32>
      %select_n3A_441 = arith.select %gt3A_440, %select_n3A_438, %select_n3A_425 : vector<16xi1>, vector<16xf32>
      %select_n3A_442 = arith.select %gt3A_440, %select_n3A_439, %select_n3A_426 : vector<16xi1>, vector<16xi32>
      %get3A_443 = arith.constant 27 : i32
      %get3A_444 = arith.index_cast %get3A_443 : i32 to index
      %get3A_445 = arith.index_cast %mul3A_10 : i32 to index
      %get3A_446 = tpu.vector_load %arg7[%get3A_444, %get3A_445] {strides = array<i32>} : memref<64x1024xf32, #tpu.memory_space<vmem>>, vector<1x16xf32>,
      %get3A_447 = vector.shape_cast %get3A_446 : vector<1x16xf32> to vector<16xf32>
      %add3A_448 = arith.constant 27 : i32
      %add3A_449 = vector.broadcast %add3A_448 : i32 to vector<16xi32>
      %add3A_450 = arith.addi %broadcast_in_dim3A_13, %add3A_449 : vector<16xi32>
      %gt3A_451 = arith.cmpf ogt, %get3A_447, %select_n3A_436 : vector<16xf32>
      %select_n3A_452 = arith.select %gt3A_451, %get3A_447, %select_n3A_436 : vector<16xi1>, vector<16xf32>
      %select_n3A_453 = arith.select %gt3A_451, %add3A_450, %select_n3A_437 : vector<16xi1>, vector<16xi32>
      %select_n3A_454 = arith.select %gt3A_451, %select_n3A_436, %get3A_447 : vector<16xi1>, vector<16xf32>
      %select_n3A_455 = arith.select %gt3A_451, %select_n3A_437, %add3A_450 : vector<16xi1>, vector<16xi32>
      %gt3A_456 = arith.cmpf ogt, %select_n3A_454, %select_n3A_441 : vector<16xf32>
      %select_n3A_457 = arith.select %gt3A_456, %select_n3A_454, %select_n3A_441 : vector<16xi1>, vector<16xf32>
      %select_n3A_458 = arith.select %gt3A_456, %select_n3A_455, %select_n3A_442 : vector<16xi1>, vector<16xi32>
      %get3A_459 = arith.constant 28 : i32
      %get3A_460 = arith.index_cast %get3A_459 : i32 to index
      %get3A_461 = arith.index_cast %mul3A_10 : i32 to index
      %get3A_462 = tpu.vector_load %arg7[%get3A_460, %get3A_461] {strides = array<i32>} : memref<64x1024xf32, #tpu.memory_space<vmem>>, vector<1x16xf32>,
      %get3A_463 = vector.shape_cast %get3A_462 : vector<1x16xf32> to vector<16xf32>
      %add3A_464 = arith.constant 28 : i32
      %add3A_465 = vector.broadcast %add3A_464 : i32 to vector<16xi32>
      %add3A_466 = arith.addi %broadcast_in_dim3A_13, %add3A_465 : vector<16xi32>
      %gt3A_467 = arith.cmpf ogt, %get3A_463, %select_n3A_452 : vector<16xf32>
      %select_n3A_468 = arith.select %gt3A_467, %get3A_463, %select_n3A_452 : vector<16xi1>, vector<16xf32>
      %select_n3A_469 = arith.select %gt3A_467, %add3A_466, %select_n3A_453 : vector<16xi1>, vector<16xi32>
      %select_n3A_470 = arith.select %gt3A_467, %select_n3A_452, %get3A_463 : vector<16xi1>, vector<16xf32>
      %select_n3A_471 = arith.select %gt3A_467, %select_n3A_453, %add3A_466 : vector<16xi1>, vector<16xi32>
      %gt3A_472 = arith.cmpf ogt, %select_n3A_470, %select_n3A_457 : vector<16xf32>
      %select_n3A_473 = arith.select %gt3A_472, %select_n3A_470, %select_n3A_457 : vector<16xi1>, vector<16xf32>
      %select_n3A_474 = arith.select %gt3A_472, %select_n3A_471, %select_n3A_458 : vector<16xi1>, vector<16xi32>
      %get3A_475 = arith.constant 29 : i32
      %get3A_476 = arith.index_cast %get3A_475 : i32 to index
      %get3A_477 = arith.index_cast %mul3A_10 : i32 to index
      %get3A_478 = tpu.vector_load %arg7[%get3A_476, %get3A_477] {strides = array<i32>} : memref<64x1024xf32, #tpu.memory_space<vmem>>, vector<1x16xf32>,
      %get3A_479 = vector.shape_cast %get3A_478 : vector<1x16xf32> to vector<16xf32>
      %add3A_480 = arith.constant 29 : i32
      %add3A_481 = vector.broadcast %add3A_480 : i32 to vector<16xi32>
      %add3A_482 = arith.addi %broadcast_in_dim3A_13, %add3A_481 : vector<16xi32>
      %gt3A_483 = arith.cmpf ogt, %get3A_479, %select_n3A_468 : vector<16xf32>
      %select_n3A_484 = arith.select %gt3A_483, %get3A_479, %select_n3A_468 : vector<16xi1>, vector<16xf32>
      %select_n3A_485 = arith.select %gt3A_483, %add3A_482, %select_n3A_469 : vector<16xi1>, vector<16xi32>
      %select_n3A_486 = arith.select %gt3A_483, %select_n3A_468, %get3A_479 : vector<16xi1>, vector<16xf32>
      %select_n3A_487 = arith.select %gt3A_483, %select_n3A_469, %add3A_482 : vector<16xi1>, vector<16xi32>
      %gt3A_488 = arith.cmpf ogt, %select_n3A_486, %select_n3A_473 : vector<16xf32>
      %select_n3A_489 = arith.select %gt3A_488, %select_n3A_486, %select_n3A_473 : vector<16xi1>, vector<16xf32>
      %select_n3A_490 = arith.select %gt3A_488, %select_n3A_487, %select_n3A_474 : vector<16xi1>, vector<16xi32>
      %get3A_491 = arith.constant 30 : i32
      %get3A_492 = arith.index_cast %get3A_491 : i32 to index
      %get3A_493 = arith.index_cast %mul3A_10 : i32 to index
      %get3A_494 = tpu.vector_load %arg7[%get3A_492, %get3A_493] {strides = array<i32>} : memref<64x1024xf32, #tpu.memory_space<vmem>>, vector<1x16xf32>,
      %get3A_495 = vector.shape_cast %get3A_494 : vector<1x16xf32> to vector<16xf32>
      %add3A_496 = arith.constant 30 : i32
      %add3A_497 = vector.broadcast %add3A_496 : i32 to vector<16xi32>
      %add3A_498 = arith.addi %broadcast_in_dim3A_13, %add3A_497 : vector<16xi32>
      %gt3A_499 = arith.cmpf ogt, %get3A_495, %select_n3A_484 : vector<16xf32>
      %select_n3A_500 = arith.select %gt3A_499, %get3A_495, %select_n3A_484 : vector<16xi1>, vector<16xf32>
      %select_n3A_501 = arith.select %gt3A_499, %add3A_498, %select_n3A_485 : vector<16xi1>, vector<16xi32>
      %select_n3A_502 = arith.select %gt3A_499, %select_n3A_484, %get3A_495 : vector<16xi1>, vector<16xf32>
      %select_n3A_503 = arith.select %gt3A_499, %select_n3A_485, %add3A_498 : vector<16xi1>, vector<16xi32>
      %gt3A_504 = arith.cmpf ogt, %select_n3A_502, %select_n3A_489 : vector<16xf32>
      %select_n3A_505 = arith.select %gt3A_504, %select_n3A_502, %select_n3A_489 : vector<16xi1>, vector<16xf32>
      %select_n3A_506 = arith.select %gt3A_504, %select_n3A_503, %select_n3A_490 : vector<16xi1>, vector<16xi32>
      %get3A_507 = arith.constant 31 : i32
      %get3A_508 = arith.index_cast %get3A_507 : i32 to index
      %get3A_509 = arith.index_cast %mul3A_10 : i32 to index
      %get3A_510 = tpu.vector_load %arg7[%get3A_508, %get3A_509] {strides = array<i32>} : memref<64x1024xf32, #tpu.memory_space<vmem>>, vector<1x16xf32>,
      %get3A_511 = vector.shape_cast %get3A_510 : vector<1x16xf32> to vector<16xf32>
      %add3A_512 = arith.constant 31 : i32
      %add3A_513 = vector.broadcast %add3A_512 : i32 to vector<16xi32>
      %add3A_514 = arith.addi %broadcast_in_dim3A_13, %add3A_513 : vector<16xi32>
      %gt3A_515 = arith.cmpf ogt, %get3A_511, %select_n3A_500 : vector<16xf32>
      %select_n3A_516 = arith.select %gt3A_515, %get3A_511, %select_n3A_500 : vector<16xi1>, vector<16xf32>
      %select_n3A_517 = arith.select %gt3A_515, %add3A_514, %select_n3A_501 : vector<16xi1>, vector<16xi32>
      %select_n3A_518 = arith.select %gt3A_515, %select_n3A_500, %get3A_511 : vector<16xi1>, vector<16xf32>
      %select_n3A_519 = arith.select %gt3A_515, %select_n3A_501, %add3A_514 : vector<16xi1>, vector<16xi32>
      %gt3A_520 = arith.cmpf ogt, %select_n3A_518, %select_n3A_505 : vector<16xf32>
      %select_n3A_521 = arith.select %gt3A_520, %select_n3A_518, %select_n3A_505 : vector<16xi1>, vector<16xf32>
      %select_n3A_522 = arith.select %gt3A_520, %select_n3A_519, %select_n3A_506 : vector<16xi1>, vector<16xi32>
      %get3A_523 = arith.constant 32 : i32
      %get3A_524 = arith.index_cast %get3A_523 : i32 to index
      %get3A_525 = arith.index_cast %mul3A_10 : i32 to index
      %get3A_526 = tpu.vector_load %arg7[%get3A_524, %get3A_525] {strides = array<i32>} : memref<64x1024xf32, #tpu.memory_space<vmem>>, vector<1x16xf32>,
      %get3A_527 = vector.shape_cast %get3A_526 : vector<1x16xf32> to vector<16xf32>
      %add3A_528 = arith.constant 32 : i32
      %add3A_529 = vector.broadcast %add3A_528 : i32 to vector<16xi32>
      %add3A_530 = arith.addi %broadcast_in_dim3A_13, %add3A_529 : vector<16xi32>
      %gt3A_531 = arith.cmpf ogt, %get3A_527, %select_n3A_516 : vector<16xf32>
      %select_n3A_532 = arith.select %gt3A_531, %get3A_527, %select_n3A_516 : vector<16xi1>, vector<16xf32>
      %select_n3A_533 = arith.select %gt3A_531, %add3A_530, %select_n3A_517 : vector<16xi1>, vector<16xi32>
      %select_n3A_534 = arith.select %gt3A_531, %select_n3A_516, %get3A_527 : vector<16xi1>, vector<16xf32>
      %select_n3A_535 = arith.select %gt3A_531, %select_n3A_517, %add3A_530 : vector<16xi1>, vector<16xi32>
      %gt3A_536 = arith.cmpf ogt, %select_n3A_534, %select_n3A_521 : vector<16xf32>
      %select_n3A_537 = arith.select %gt3A_536, %select_n3A_534, %select_n3A_521 : vector<16xi1>, vector<16xf32>
      %select_n3A_538 = arith.select %gt3A_536, %select_n3A_535, %select_n3A_522 : vector<16xi1>, vector<16xi32>
      %get3A_539 = arith.constant 33 : i32
      %get3A_540 = arith.index_cast %get3A_539 : i32 to index
      %get3A_541 = arith.index_cast %mul3A_10 : i32 to index
      %get3A_542 = tpu.vector_load %arg7[%get3A_540, %get3A_541] {strides = array<i32>} : memref<64x1024xf32, #tpu.memory_space<vmem>>, vector<1x16xf32>,
      %get3A_543 = vector.shape_cast %get3A_542 : vector<1x16xf32> to vector<16xf32>
      %add3A_544 = arith.constant 33 : i32
      %add3A_545 = vector.broadcast %add3A_544 : i32 to vector<16xi32>
      %add3A_546 = arith.addi %broadcast_in_dim3A_13, %add3A_545 : vector<16xi32>
      %gt3A_547 = arith.cmpf ogt, %get3A_543, %select_n3A_532 : vector<16xf32>
      %select_n3A_548 = arith.select %gt3A_547, %get3A_543, %select_n3A_532 : vector<16xi1>, vector<16xf32>
      %select_n3A_549 = arith.select %gt3A_547, %add3A_546, %select_n3A_533 : vector<16xi1>, vector<16xi32>
      %select_n3A_550 = arith.select %gt3A_547, %select_n3A_532, %get3A_543 : vector<16xi1>, vector<16xf32>
      %select_n3A_551 = arith.select %gt3A_547, %select_n3A_533, %add3A_546 : vector<16xi1>, vector<16xi32>
      %gt3A_552 = arith.cmpf ogt, %select_n3A_550, %select_n3A_537 : vector<16xf32>
      %select_n3A_553 = arith.select %gt3A_552, %select_n3A_550, %select_n3A_537 : vector<16xi1>, vector<16xf32>
      %select_n3A_554 = arith.select %gt3A_552, %select_n3A_551, %select_n3A_538 : vector<16xi1>, vector<16xi32>
      %get3A_555 = arith.constant 34 : i32
      %get3A_556 = arith.index_cast %get3A_555 : i32 to index
      %get3A_557 = arith.index_cast %mul3A_10 : i32 to index
      %get3A_558 = tpu.vector_load %arg7[%get3A_556, %get3A_557] {strides = array<i32>} : memref<64x1024xf32, #tpu.memory_space<vmem>>, vector<1x16xf32>,
      %get3A_559 = vector.shape_cast %get3A_558 : vector<1x16xf32> to vector<16xf32>
      %add3A_560 = arith.constant 34 : i32
      %add3A_561 = vector.broadcast %add3A_560 : i32 to vector<16xi32>
      %add3A_562 = arith.addi %broadcast_in_dim3A_13, %add3A_561 : vector<16xi32>
      %gt3A_563 = arith.cmpf ogt, %get3A_559, %select_n3A_548 : vector<16xf32>
      %select_n3A_564 = arith.select %gt3A_563, %get3A_559, %select_n3A_548 : vector<16xi1>, vector<16xf32>
      %select_n3A_565 = arith.select %gt3A_563, %add3A_562, %select_n3A_549 : vector<16xi1>, vector<16xi32>
      %select_n3A_566 = arith.select %gt3A_563, %select_n3A_548, %get3A_559 : vector<16xi1>, vector<16xf32>
      %select_n3A_567 = arith.select %gt3A_563, %select_n3A_549, %add3A_562 : vector<16xi1>, vector<16xi32>
      %gt3A_568 = arith.cmpf ogt, %select_n3A_566, %select_n3A_553 : vector<16xf32>
      %select_n3A_569 = arith.select %gt3A_568, %select_n3A_566, %select_n3A_553 : vector<16xi1>, vector<16xf32>
      %select_n3A_570 = arith.select %gt3A_568, %select_n3A_567, %select_n3A_554 : vector<16xi1>, vector<16xi32>
      %get3A_571 = arith.constant 35 : i32
      %get3A_572 = arith.index_cast %get3A_571 : i32 to index
      %get3A_573 = arith.index_cast %mul3A_10 : i32 to index
      %get3A_574 = tpu.vector_load %arg7[%get3A_572, %get3A_573] {strides = array<i32>} : memref<64x1024xf32, #tpu.memory_space<vmem>>, vector<1x16xf32>,
      %get3A_575 = vector.shape_cast %get3A_574 : vector<1x16xf32> to vector<16xf32>
      %add3A_576 = arith.constant 35 : i32
      %add3A_577 = vector.broadcast %add3A_576 : i32 to vector<16xi32>
      %add3A_578 = arith.addi %broadcast_in_dim3A_13, %add3A_577 : vector<16xi32>
      %gt3A_579 = arith.cmpf ogt, %get3A_575, %select_n3A_564 : vector<16xf32>
      %select_n3A_580 = arith.select %gt3A_579, %get3A_575, %select_n3A_564 : vector<16xi1>, vector<16xf32>
      %select_n3A_581 = arith.select %gt3A_579, %add3A_578, %select_n3A_565 : vector<16xi1>, vector<16xi32>
      %select_n3A_582 = arith.select %gt3A_579, %select_n3A_564, %get3A_575 : vector<16xi1>, vector<16xf32>
      %select_n3A_583 = arith.select %gt3A_579, %select_n3A_565, %add3A_578 : vector<16xi1>, vector<16xi32>
      %gt3A_584 = arith.cmpf ogt, %select_n3A_582, %select_n3A_569 : vector<16xf32>
      %select_n3A_585 = arith.select %gt3A_584, %select_n3A_582, %select_n3A_569 : vector<16xi1>, vector<16xf32>
      %select_n3A_586 = arith.select %gt3A_584, %select_n3A_583, %select_n3A_570 : vector<16xi1>, vector<16xi32>
      %get3A_587 = arith.constant 36 : i32
      %get3A_588 = arith.index_cast %get3A_587 : i32 to index
      %get3A_589 = arith.index_cast %mul3A_10 : i32 to index
      %get3A_590 = tpu.vector_load %arg7[%get3A_588, %get3A_589] {strides = array<i32>} : memref<64x1024xf32, #tpu.memory_space<vmem>>, vector<1x16xf32>,
      %get3A_591 = vector.shape_cast %get3A_590 : vector<1x16xf32> to vector<16xf32>
      %add3A_592 = arith.constant 36 : i32
      %add3A_593 = vector.broadcast %add3A_592 : i32 to vector<16xi32>
      %add3A_594 = arith.addi %broadcast_in_dim3A_13, %add3A_593 : vector<16xi32>
      %gt3A_595 = arith.cmpf ogt, %get3A_591, %select_n3A_580 : vector<16xf32>
      %select_n3A_596 = arith.select %gt3A_595, %get3A_591, %select_n3A_580 : vector<16xi1>, vector<16xf32>
      %select_n3A_597 = arith.select %gt3A_595, %add3A_594, %select_n3A_581 : vector<16xi1>, vector<16xi32>
      %select_n3A_598 = arith.select %gt3A_595, %select_n3A_580, %get3A_591 : vector<16xi1>, vector<16xf32>
      %select_n3A_599 = arith.select %gt3A_595, %select_n3A_581, %add3A_594 : vector<16xi1>, vector<16xi32>
      %gt3A_600 = arith.cmpf ogt, %select_n3A_598, %select_n3A_585 : vector<16xf32>
      %select_n3A_601 = arith.select %gt3A_600, %select_n3A_598, %select_n3A_585 : vector<16xi1>, vector<16xf32>
      %select_n3A_602 = arith.select %gt3A_600, %select_n3A_599, %select_n3A_586 : vector<16xi1>, vector<16xi32>
      %get3A_603 = arith.constant 37 : i32
      %get3A_604 = arith.index_cast %get3A_603 : i32 to index
      %get3A_605 = arith.index_cast %mul3A_10 : i32 to index
      %get3A_606 = tpu.vector_load %arg7[%get3A_604, %get3A_605] {strides = array<i32>} : memref<64x1024xf32, #tpu.memory_space<vmem>>, vector<1x16xf32>,
      %get3A_607 = vector.shape_cast %get3A_606 : vector<1x16xf32> to vector<16xf32>
      %add3A_608 = arith.constant 37 : i32
      %add3A_609 = vector.broadcast %add3A_608 : i32 to vector<16xi32>
      %add3A_610 = arith.addi %broadcast_in_dim3A_13, %add3A_609 : vector<16xi32>
      %gt3A_611 = arith.cmpf ogt, %get3A_607, %select_n3A_596 : vector<16xf32>
      %select_n3A_612 = arith.select %gt3A_611, %get3A_607, %select_n3A_596 : vector<16xi1>, vector<16xf32>
      %select_n3A_613 = arith.select %gt3A_611, %add3A_610, %select_n3A_597 : vector<16xi1>, vector<16xi32>
      %select_n3A_614 = arith.select %gt3A_611, %select_n3A_596, %get3A_607 : vector<16xi1>, vector<16xf32>
      %select_n3A_615 = arith.select %gt3A_611, %select_n3A_597, %add3A_610 : vector<16xi1>, vector<16xi32>
      %gt3A_616 = arith.cmpf ogt, %select_n3A_614, %select_n3A_601 : vector<16xf32>
      %select_n3A_617 = arith.select %gt3A_616, %select_n3A_614, %select_n3A_601 : vector<16xi1>, vector<16xf32>
      %select_n3A_618 = arith.select %gt3A_616, %select_n3A_615, %select_n3A_602 : vector<16xi1>, vector<16xi32>
      %get3A_619 = arith.constant 38 : i32
      %get3A_620 = arith.index_cast %get3A_619 : i32 to index
      %get3A_621 = arith.index_cast %mul3A_10 : i32 to index
      %get3A_622 = tpu.vector_load %arg7[%get3A_620, %get3A_621] {strides = array<i32>} : memref<64x1024xf32, #tpu.memory_space<vmem>>, vector<1x16xf32>,
      %get3A_623 = vector.shape_cast %get3A_622 : vector<1x16xf32> to vector<16xf32>
      %add3A_624 = arith.constant 38 : i32
      %add3A_625 = vector.broadcast %add3A_624 : i32 to vector<16xi32>
      %add3A_626 = arith.addi %broadcast_in_dim3A_13, %add3A_625 : vector<16xi32>
      %gt3A_627 = arith.cmpf ogt, %get3A_623, %select_n3A_612 : vector<16xf32>
      %select_n3A_628 = arith.select %gt3A_627, %get3A_623, %select_n3A_612 : vector<16xi1>, vector<16xf32>
      %select_n3A_629 = arith.select %gt3A_627, %add3A_626, %select_n3A_613 : vector<16xi1>, vector<16xi32>
      %select_n3A_630 = arith.select %gt3A_627, %select_n3A_612, %get3A_623 : vector<16xi1>, vector<16xf32>
      %select_n3A_631 = arith.select %gt3A_627, %select_n3A_613, %add3A_626 : vector<16xi1>, vector<16xi32>
      %gt3A_632 = arith.cmpf ogt, %select_n3A_630, %select_n3A_617 : vector<16xf32>
      %select_n3A_633 = arith.select %gt3A_632, %select_n3A_630, %select_n3A_617 : vector<16xi1>, vector<16xf32>
      %select_n3A_634 = arith.select %gt3A_632, %select_n3A_631, %select_n3A_618 : vector<16xi1>, vector<16xi32>
      %get3A_635 = arith.constant 39 : i32
      %get3A_636 = arith.index_cast %get3A_635 : i32 to index
      %get3A_637 = arith.index_cast %mul3A_10 : i32 to index
      %get3A_638 = tpu.vector_load %arg7[%get3A_636, %get3A_637] {strides = array<i32>} : memref<64x1024xf32, #tpu.memory_space<vmem>>, vector<1x16xf32>,
      %get3A_639 = vector.shape_cast %get3A_638 : vector<1x16xf32> to vector<16xf32>
      %add3A_640 = arith.constant 39 : i32
      %add3A_641 = vector.broadcast %add3A_640 : i32 to vector<16xi32>
      %add3A_642 = arith.addi %broadcast_in_dim3A_13, %add3A_641 : vector<16xi32>
      %gt3A_643 = arith.cmpf ogt, %get3A_639, %select_n3A_628 : vector<16xf32>
      %select_n3A_644 = arith.select %gt3A_643, %get3A_639, %select_n3A_628 : vector<16xi1>, vector<16xf32>
      %select_n3A_645 = arith.select %gt3A_643, %add3A_642, %select_n3A_629 : vector<16xi1>, vector<16xi32>
      %select_n3A_646 = arith.select %gt3A_643, %select_n3A_628, %get3A_639 : vector<16xi1>, vector<16xf32>
      %select_n3A_647 = arith.select %gt3A_643, %select_n3A_629, %add3A_642 : vector<16xi1>, vector<16xi32>
      %gt3A_648 = arith.cmpf ogt, %select_n3A_646, %select_n3A_633 : vector<16xf32>
      %select_n3A_649 = arith.select %gt3A_648, %select_n3A_646, %select_n3A_633 : vector<16xi1>, vector<16xf32>
      %select_n3A_650 = arith.select %gt3A_648, %select_n3A_647, %select_n3A_634 : vector<16xi1>, vector<16xi32>
      %get3A_651 = arith.constant 40 : i32
      %get3A_652 = arith.index_cast %get3A_651 : i32 to index
      %get3A_653 = arith.index_cast %mul3A_10 : i32 to index
      %get3A_654 = tpu.vector_load %arg7[%get3A_652, %get3A_653] {strides = array<i32>} : memref<64x1024xf32, #tpu.memory_space<vmem>>, vector<1x16xf32>,
      %get3A_655 = vector.shape_cast %get3A_654 : vector<1x16xf32> to vector<16xf32>
      %add3A_656 = arith.constant 40 : i32
      %add3A_657 = vector.broadcast %add3A_656 : i32 to vector<16xi32>
      %add3A_658 = arith.addi %broadcast_in_dim3A_13, %add3A_657 : vector<16xi32>
      %gt3A_659 = arith.cmpf ogt, %get3A_655, %select_n3A_644 : vector<16xf32>
      %select_n3A_660 = arith.select %gt3A_659, %get3A_655, %select_n3A_644 : vector<16xi1>, vector<16xf32>
      %select_n3A_661 = arith.select %gt3A_659, %add3A_658, %select_n3A_645 : vector<16xi1>, vector<16xi32>
      %select_n3A_662 = arith.select %gt3A_659, %select_n3A_644, %get3A_655 : vector<16xi1>, vector<16xf32>
      %select_n3A_663 = arith.select %gt3A_659, %select_n3A_645, %add3A_658 : vector<16xi1>, vector<16xi32>
      %gt3A_664 = arith.cmpf ogt, %select_n3A_662, %select_n3A_649 : vector<16xf32>
      %select_n3A_665 = arith.select %gt3A_664, %select_n3A_662, %select_n3A_649 : vector<16xi1>, vector<16xf32>
      %select_n3A_666 = arith.select %gt3A_664, %select_n3A_663, %select_n3A_650 : vector<16xi1>, vector<16xi32>
      %get3A_667 = arith.constant 41 : i32
      %get3A_668 = arith.index_cast %get3A_667 : i32 to index
      %get3A_669 = arith.index_cast %mul3A_10 : i32 to index
      %get3A_670 = tpu.vector_load %arg7[%get3A_668, %get3A_669] {strides = array<i32>} : memref<64x1024xf32, #tpu.memory_space<vmem>>, vector<1x16xf32>,
      %get3A_671 = vector.shape_cast %get3A_670 : vector<1x16xf32> to vector<16xf32>
      %add3A_672 = arith.constant 41 : i32
      %add3A_673 = vector.broadcast %add3A_672 : i32 to vector<16xi32>
      %add3A_674 = arith.addi %broadcast_in_dim3A_13, %add3A_673 : vector<16xi32>
      %gt3A_675 = arith.cmpf ogt, %get3A_671, %select_n3A_660 : vector<16xf32>
      %select_n3A_676 = arith.select %gt3A_675, %get3A_671, %select_n3A_660 : vector<16xi1>, vector<16xf32>
      %select_n3A_677 = arith.select %gt3A_675, %add3A_674, %select_n3A_661 : vector<16xi1>, vector<16xi32>
      %select_n3A_678 = arith.select %gt3A_675, %select_n3A_660, %get3A_671 : vector<16xi1>, vector<16xf32>
      %select_n3A_679 = arith.select %gt3A_675, %select_n3A_661, %add3A_674 : vector<16xi1>, vector<16xi32>
      %gt3A_680 = arith.cmpf ogt, %select_n3A_678, %select_n3A_665 : vector<16xf32>
      %select_n3A_681 = arith.select %gt3A_680, %select_n3A_678, %select_n3A_665 : vector<16xi1>, vector<16xf32>
      %select_n3A_682 = arith.select %gt3A_680, %select_n3A_679, %select_n3A_666 : vector<16xi1>, vector<16xi32>
      %get3A_683 = arith.constant 42 : i32
      %get3A_684 = arith.index_cast %get3A_683 : i32 to index
      %get3A_685 = arith.index_cast %mul3A_10 : i32 to index
      %get3A_686 = tpu.vector_load %arg7[%get3A_684, %get3A_685] {strides = array<i32>} : memref<64x1024xf32, #tpu.memory_space<vmem>>, vector<1x16xf32>,
      %get3A_687 = vector.shape_cast %get3A_686 : vector<1x16xf32> to vector<16xf32>
      %add3A_688 = arith.constant 42 : i32
      %add3A_689 = vector.broadcast %add3A_688 : i32 to vector<16xi32>
      %add3A_690 = arith.addi %broadcast_in_dim3A_13, %add3A_689 : vector<16xi32>
      %gt3A_691 = arith.cmpf ogt, %get3A_687, %select_n3A_676 : vector<16xf32>
      %select_n3A_692 = arith.select %gt3A_691, %get3A_687, %select_n3A_676 : vector<16xi1>, vector<16xf32>
      %select_n3A_693 = arith.select %gt3A_691, %add3A_690, %select_n3A_677 : vector<16xi1>, vector<16xi32>
      %select_n3A_694 = arith.select %gt3A_691, %select_n3A_676, %get3A_687 : vector<16xi1>, vector<16xf32>
      %select_n3A_695 = arith.select %gt3A_691, %select_n3A_677, %add3A_690 : vector<16xi1>, vector<16xi32>
      %gt3A_696 = arith.cmpf ogt, %select_n3A_694, %select_n3A_681 : vector<16xf32>
      %select_n3A_697 = arith.select %gt3A_696, %select_n3A_694, %select_n3A_681 : vector<16xi1>, vector<16xf32>
      %select_n3A_698 = arith.select %gt3A_696, %select_n3A_695, %select_n3A_682 : vector<16xi1>, vector<16xi32>
      %get3A_699 = arith.constant 43 : i32
      %get3A_700 = arith.index_cast %get3A_699 : i32 to index
      %get3A_701 = arith.index_cast %mul3A_10 : i32 to index
      %get3A_702 = tpu.vector_load %arg7[%get3A_700, %get3A_701] {strides = array<i32>} : memref<64x1024xf32, #tpu.memory_space<vmem>>, vector<1x16xf32>,
      %get3A_703 = vector.shape_cast %get3A_702 : vector<1x16xf32> to vector<16xf32>
      %add3A_704 = arith.constant 43 : i32
      %add3A_705 = vector.broadcast %add3A_704 : i32 to vector<16xi32>
      %add3A_706 = arith.addi %broadcast_in_dim3A_13, %add3A_705 : vector<16xi32>
      %gt3A_707 = arith.cmpf ogt, %get3A_703, %select_n3A_692 : vector<16xf32>
      %select_n3A_708 = arith.select %gt3A_707, %get3A_703, %select_n3A_692 : vector<16xi1>, vector<16xf32>
      %select_n3A_709 = arith.select %gt3A_707, %add3A_706, %select_n3A_693 : vector<16xi1>, vector<16xi32>
      %select_n3A_710 = arith.select %gt3A_707, %select_n3A_692, %get3A_703 : vector<16xi1>, vector<16xf32>
      %select_n3A_711 = arith.select %gt3A_707, %select_n3A_693, %add3A_706 : vector<16xi1>, vector<16xi32>
      %gt3A_712 = arith.cmpf ogt, %select_n3A_710, %select_n3A_697 : vector<16xf32>
      %select_n3A_713 = arith.select %gt3A_712, %select_n3A_710, %select_n3A_697 : vector<16xi1>, vector<16xf32>
      %select_n3A_714 = arith.select %gt3A_712, %select_n3A_711, %select_n3A_698 : vector<16xi1>, vector<16xi32>
      %get3A_715 = arith.constant 44 : i32
      %get3A_716 = arith.index_cast %get3A_715 : i32 to index
      %get3A_717 = arith.index_cast %mul3A_10 : i32 to index
      %get3A_718 = tpu.vector_load %arg7[%get3A_716, %get3A_717] {strides = array<i32>} : memref<64x1024xf32, #tpu.memory_space<vmem>>, vector<1x16xf32>,
      %get3A_719 = vector.shape_cast %get3A_718 : vector<1x16xf32> to vector<16xf32>
      %add3A_720 = arith.constant 44 : i32
      %add3A_721 = vector.broadcast %add3A_720 : i32 to vector<16xi32>
      %add3A_722 = arith.addi %broadcast_in_dim3A_13, %add3A_721 : vector<16xi32>
      %gt3A_723 = arith.cmpf ogt, %get3A_719, %select_n3A_708 : vector<16xf32>
      %select_n3A_724 = arith.select %gt3A_723, %get3A_719, %select_n3A_708 : vector<16xi1>, vector<16xf32>
      %select_n3A_725 = arith.select %gt3A_723, %add3A_722, %select_n3A_709 : vector<16xi1>, vector<16xi32>
      %select_n3A_726 = arith.select %gt3A_723, %select_n3A_708, %get3A_719 : vector<16xi1>, vector<16xf32>
      %select_n3A_727 = arith.select %gt3A_723, %select_n3A_709, %add3A_722 : vector<16xi1>, vector<16xi32>
      %gt3A_728 = arith.cmpf ogt, %select_n3A_726, %select_n3A_713 : vector<16xf32>
      %select_n3A_729 = arith.select %gt3A_728, %select_n3A_726, %select_n3A_713 : vector<16xi1>, vector<16xf32>
      %select_n3A_730 = arith.select %gt3A_728, %select_n3A_727, %select_n3A_714 : vector<16xi1>, vector<16xi32>
      %get3A_731 = arith.constant 45 : i32
      %get3A_732 = arith.index_cast %get3A_731 : i32 to index
      %get3A_733 = arith.index_cast %mul3A_10 : i32 to index
      %get3A_734 = tpu.vector_load %arg7[%get3A_732, %get3A_733] {strides = array<i32>} : memref<64x1024xf32, #tpu.memory_space<vmem>>, vector<1x16xf32>,
      %get3A_735 = vector.shape_cast %get3A_734 : vector<1x16xf32> to vector<16xf32>
      %add3A_736 = arith.constant 45 : i32
      %add3A_737 = vector.broadcast %add3A_736 : i32 to vector<16xi32>
      %add3A_738 = arith.addi %broadcast_in_dim3A_13, %add3A_737 : vector<16xi32>
      %gt3A_739 = arith.cmpf ogt, %get3A_735, %select_n3A_724 : vector<16xf32>
      %select_n3A_740 = arith.select %gt3A_739, %get3A_735, %select_n3A_724 : vector<16xi1>, vector<16xf32>
      %select_n3A_741 = arith.select %gt3A_739, %add3A_738, %select_n3A_725 : vector<16xi1>, vector<16xi32>
      %select_n3A_742 = arith.select %gt3A_739, %select_n3A_724, %get3A_735 : vector<16xi1>, vector<16xf32>
      %select_n3A_743 = arith.select %gt3A_739, %select_n3A_725, %add3A_738 : vector<16xi1>, vector<16xi32>
      %gt3A_744 = arith.cmpf ogt, %select_n3A_742, %select_n3A_729 : vector<16xf32>
      %select_n3A_745 = arith.select %gt3A_744, %select_n3A_742, %select_n3A_729 : vector<16xi1>, vector<16xf32>
      %select_n3A_746 = arith.select %gt3A_744, %select_n3A_743, %select_n3A_730 : vector<16xi1>, vector<16xi32>
      %get3A_747 = arith.constant 46 : i32
      %get3A_748 = arith.index_cast %get3A_747 : i32 to index
      %get3A_749 = arith.index_cast %mul3A_10 : i32 to index
      %get3A_750 = tpu.vector_load %arg7[%get3A_748, %get3A_749] {strides = array<i32>} : memref<64x1024xf32, #tpu.memory_space<vmem>>, vector<1x16xf32>,
      %get3A_751 = vector.shape_cast %get3A_750 : vector<1x16xf32> to vector<16xf32>
      %add3A_752 = arith.constant 46 : i32
      %add3A_753 = vector.broadcast %add3A_752 : i32 to vector<16xi32>
      %add3A_754 = arith.addi %broadcast_in_dim3A_13, %add3A_753 : vector<16xi32>
      %gt3A_755 = arith.cmpf ogt, %get3A_751, %select_n3A_740 : vector<16xf32>
      %select_n3A_756 = arith.select %gt3A_755, %get3A_751, %select_n3A_740 : vector<16xi1>, vector<16xf32>
      %select_n3A_757 = arith.select %gt3A_755, %add3A_754, %select_n3A_741 : vector<16xi1>, vector<16xi32>
      %select_n3A_758 = arith.select %gt3A_755, %select_n3A_740, %get3A_751 : vector<16xi1>, vector<16xf32>
      %select_n3A_759 = arith.select %gt3A_755, %select_n3A_741, %add3A_754 : vector<16xi1>, vector<16xi32>
      %gt3A_760 = arith.cmpf ogt, %select_n3A_758, %select_n3A_745 : vector<16xf32>
      %select_n3A_761 = arith.select %gt3A_760, %select_n3A_758, %select_n3A_745 : vector<16xi1>, vector<16xf32>
      %select_n3A_762 = arith.select %gt3A_760, %select_n3A_759, %select_n3A_746 : vector<16xi1>, vector<16xi32>
      %get3A_763 = arith.constant 47 : i32
      %get3A_764 = arith.index_cast %get3A_763 : i32 to index
      %get3A_765 = arith.index_cast %mul3A_10 : i32 to index
      %get3A_766 = tpu.vector_load %arg7[%get3A_764, %get3A_765] {strides = array<i32>} : memref<64x1024xf32, #tpu.memory_space<vmem>>, vector<1x16xf32>,
      %get3A_767 = vector.shape_cast %get3A_766 : vector<1x16xf32> to vector<16xf32>
      %add3A_768 = arith.constant 47 : i32
      %add3A_769 = vector.broadcast %add3A_768 : i32 to vector<16xi32>
      %add3A_770 = arith.addi %broadcast_in_dim3A_13, %add3A_769 : vector<16xi32>
      %gt3A_771 = arith.cmpf ogt, %get3A_767, %select_n3A_756 : vector<16xf32>
      %select_n3A_772 = arith.select %gt3A_771, %get3A_767, %select_n3A_756 : vector<16xi1>, vector<16xf32>
      %select_n3A_773 = arith.select %gt3A_771, %add3A_770, %select_n3A_757 : vector<16xi1>, vector<16xi32>
      %select_n3A_774 = arith.select %gt3A_771, %select_n3A_756, %get3A_767 : vector<16xi1>, vector<16xf32>
      %select_n3A_775 = arith.select %gt3A_771, %select_n3A_757, %add3A_770 : vector<16xi1>, vector<16xi32>
      %gt3A_776 = arith.cmpf ogt, %select_n3A_774, %select_n3A_761 : vector<16xf32>
      %select_n3A_777 = arith.select %gt3A_776, %select_n3A_774, %select_n3A_761 : vector<16xi1>, vector<16xf32>
      %select_n3A_778 = arith.select %gt3A_776, %select_n3A_775, %select_n3A_762 : vector<16xi1>, vector<16xi32>
      %get3A_779 = arith.constant 48 : i32
      %get3A_780 = arith.index_cast %get3A_779 : i32 to index
      %get3A_781 = arith.index_cast %mul3A_10 : i32 to index
      %get3A_782 = tpu.vector_load %arg7[%get3A_780, %get3A_781] {strides = array<i32>} : memref<64x1024xf32, #tpu.memory_space<vmem>>, vector<1x16xf32>,
      %get3A_783 = vector.shape_cast %get3A_782 : vector<1x16xf32> to vector<16xf32>
      %add3A_784 = arith.constant 48 : i32
      %add3A_785 = vector.broadcast %add3A_784 : i32 to vector<16xi32>
      %add3A_786 = arith.addi %broadcast_in_dim3A_13, %add3A_785 : vector<16xi32>
      %gt3A_787 = arith.cmpf ogt, %get3A_783, %select_n3A_772 : vector<16xf32>
      %select_n3A_788 = arith.select %gt3A_787, %get3A_783, %select_n3A_772 : vector<16xi1>, vector<16xf32>
      %select_n3A_789 = arith.select %gt3A_787, %add3A_786, %select_n3A_773 : vector<16xi1>, vector<16xi32>
      %select_n3A_790 = arith.select %gt3A_787, %select_n3A_772, %get3A_783 : vector<16xi1>, vector<16xf32>
      %select_n3A_791 = arith.select %gt3A_787, %select_n3A_773, %add3A_786 : vector<16xi1>, vector<16xi32>
      %gt3A_792 = arith.cmpf ogt, %select_n3A_790, %select_n3A_777 : vector<16xf32>
      %select_n3A_793 = arith.select %gt3A_792, %select_n3A_790, %select_n3A_777 : vector<16xi1>, vector<16xf32>
      %select_n3A_794 = arith.select %gt3A_792, %select_n3A_791, %select_n3A_778 : vector<16xi1>, vector<16xi32>
      %get3A_795 = arith.constant 49 : i32
      %get3A_796 = arith.index_cast %get3A_795 : i32 to index
      %get3A_797 = arith.index_cast %mul3A_10 : i32 to index
      %get3A_798 = tpu.vector_load %arg7[%get3A_796, %get3A_797] {strides = array<i32>} : memref<64x1024xf32, #tpu.memory_space<vmem>>, vector<1x16xf32>,
      %get3A_799 = vector.shape_cast %get3A_798 : vector<1x16xf32> to vector<16xf32>
      %add3A_800 = arith.constant 49 : i32
      %add3A_801 = vector.broadcast %add3A_800 : i32 to vector<16xi32>
      %add3A_802 = arith.addi %broadcast_in_dim3A_13, %add3A_801 : vector<16xi32>
      %gt3A_803 = arith.cmpf ogt, %get3A_799, %select_n3A_788 : vector<16xf32>
      %select_n3A_804 = arith.select %gt3A_803, %get3A_799, %select_n3A_788 : vector<16xi1>, vector<16xf32>
      %select_n3A_805 = arith.select %gt3A_803, %add3A_802, %select_n3A_789 : vector<16xi1>, vector<16xi32>
      %select_n3A_806 = arith.select %gt3A_803, %select_n3A_788, %get3A_799 : vector<16xi1>, vector<16xf32>
      %select_n3A_807 = arith.select %gt3A_803, %select_n3A_789, %add3A_802 : vector<16xi1>, vector<16xi32>
      %gt3A_808 = arith.cmpf ogt, %select_n3A_806, %select_n3A_793 : vector<16xf32>
      %select_n3A_809 = arith.select %gt3A_808, %select_n3A_806, %select_n3A_793 : vector<16xi1>, vector<16xf32>
      %select_n3A_810 = arith.select %gt3A_808, %select_n3A_807, %select_n3A_794 : vector<16xi1>, vector<16xi32>
      %get3A_811 = arith.constant 50 : i32
      %get3A_812 = arith.index_cast %get3A_811 : i32 to index
      %get3A_813 = arith.index_cast %mul3A_10 : i32 to index
      %get3A_814 = tpu.vector_load %arg7[%get3A_812, %get3A_813] {strides = array<i32>} : memref<64x1024xf32, #tpu.memory_space<vmem>>, vector<1x16xf32>,
      %get3A_815 = vector.shape_cast %get3A_814 : vector<1x16xf32> to vector<16xf32>
      %add3A_816 = arith.constant 50 : i32
      %add3A_817 = vector.broadcast %add3A_816 : i32 to vector<16xi32>
      %add3A_818 = arith.addi %broadcast_in_dim3A_13, %add3A_817 : vector<16xi32>
      %gt3A_819 = arith.cmpf ogt, %get3A_815, %select_n3A_804 : vector<16xf32>
      %select_n3A_820 = arith.select %gt3A_819, %get3A_815, %select_n3A_804 : vector<16xi1>, vector<16xf32>
      %select_n3A_821 = arith.select %gt3A_819, %add3A_818, %select_n3A_805 : vector<16xi1>, vector<16xi32>
      %select_n3A_822 = arith.select %gt3A_819, %select_n3A_804, %get3A_815 : vector<16xi1>, vector<16xf32>
      %select_n3A_823 = arith.select %gt3A_819, %select_n3A_805, %add3A_818 : vector<16xi1>, vector<16xi32>
      %gt3A_824 = arith.cmpf ogt, %select_n3A_822, %select_n3A_809 : vector<16xf32>
      %select_n3A_825 = arith.select %gt3A_824, %select_n3A_822, %select_n3A_809 : vector<16xi1>, vector<16xf32>
      %select_n3A_826 = arith.select %gt3A_824, %select_n3A_823, %select_n3A_810 : vector<16xi1>, vector<16xi32>
      %get3A_827 = arith.constant 51 : i32
      %get3A_828 = arith.index_cast %get3A_827 : i32 to index
      %get3A_829 = arith.index_cast %mul3A_10 : i32 to index
      %get3A_830 = tpu.vector_load %arg7[%get3A_828, %get3A_829] {strides = array<i32>} : memref<64x1024xf32, #tpu.memory_space<vmem>>, vector<1x16xf32>,
      %get3A_831 = vector.shape_cast %get3A_830 : vector<1x16xf32> to vector<16xf32>
      %add3A_832 = arith.constant 51 : i32
      %add3A_833 = vector.broadcast %add3A_832 : i32 to vector<16xi32>
      %add3A_834 = arith.addi %broadcast_in_dim3A_13, %add3A_833 : vector<16xi32>
      %gt3A_835 = arith.cmpf ogt, %get3A_831, %select_n3A_820 : vector<16xf32>
      %select_n3A_836 = arith.select %gt3A_835, %get3A_831, %select_n3A_820 : vector<16xi1>, vector<16xf32>
      %select_n3A_837 = arith.select %gt3A_835, %add3A_834, %select_n3A_821 : vector<16xi1>, vector<16xi32>
      %select_n3A_838 = arith.select %gt3A_835, %select_n3A_820, %get3A_831 : vector<16xi1>, vector<16xf32>
      %select_n3A_839 = arith.select %gt3A_835, %select_n3A_821, %add3A_834 : vector<16xi1>, vector<16xi32>
      %gt3A_840 = arith.cmpf ogt, %select_n3A_838, %select_n3A_825 : vector<16xf32>
      %select_n3A_841 = arith.select %gt3A_840, %select_n3A_838, %select_n3A_825 : vector<16xi1>, vector<16xf32>
      %select_n3A_842 = arith.select %gt3A_840, %select_n3A_839, %select_n3A_826 : vector<16xi1>, vector<16xi32>
      %get3A_843 = arith.constant 52 : i32
      %get3A_844 = arith.index_cast %get3A_843 : i32 to index
      %get3A_845 = arith.index_cast %mul3A_10 : i32 to index
      %get3A_846 = tpu.vector_load %arg7[%get3A_844, %get3A_845] {strides = array<i32>} : memref<64x1024xf32, #tpu.memory_space<vmem>>, vector<1x16xf32>,
      %get3A_847 = vector.shape_cast %get3A_846 : vector<1x16xf32> to vector<16xf32>
      %add3A_848 = arith.constant 52 : i32
      %add3A_849 = vector.broadcast %add3A_848 : i32 to vector<16xi32>
      %add3A_850 = arith.addi %broadcast_in_dim3A_13, %add3A_849 : vector<16xi32>
      %gt3A_851 = arith.cmpf ogt, %get3A_847, %select_n3A_836 : vector<16xf32>
      %select_n3A_852 = arith.select %gt3A_851, %get3A_847, %select_n3A_836 : vector<16xi1>, vector<16xf32>
      %select_n3A_853 = arith.select %gt3A_851, %add3A_850, %select_n3A_837 : vector<16xi1>, vector<16xi32>
      %select_n3A_854 = arith.select %gt3A_851, %select_n3A_836, %get3A_847 : vector<16xi1>, vector<16xf32>
      %select_n3A_855 = arith.select %gt3A_851, %select_n3A_837, %add3A_850 : vector<16xi1>, vector<16xi32>
      %gt3A_856 = arith.cmpf ogt, %select_n3A_854, %select_n3A_841 : vector<16xf32>
      %select_n3A_857 = arith.select %gt3A_856, %select_n3A_854, %select_n3A_841 : vector<16xi1>, vector<16xf32>
      %select_n3A_858 = arith.select %gt3A_856, %select_n3A_855, %select_n3A_842 : vector<16xi1>, vector<16xi32>
      %get3A_859 = arith.constant 53 : i32
      %get3A_860 = arith.index_cast %get3A_859 : i32 to index
      %get3A_861 = arith.index_cast %mul3A_10 : i32 to index
      %get3A_862 = tpu.vector_load %arg7[%get3A_860, %get3A_861] {strides = array<i32>} : memref<64x1024xf32, #tpu.memory_space<vmem>>, vector<1x16xf32>,
      %get3A_863 = vector.shape_cast %get3A_862 : vector<1x16xf32> to vector<16xf32>
      %add3A_864 = arith.constant 53 : i32
      %add3A_865 = vector.broadcast %add3A_864 : i32 to vector<16xi32>
      %add3A_866 = arith.addi %broadcast_in_dim3A_13, %add3A_865 : vector<16xi32>
      %gt3A_867 = arith.cmpf ogt, %get3A_863, %select_n3A_852 : vector<16xf32>
      %select_n3A_868 = arith.select %gt3A_867, %get3A_863, %select_n3A_852 : vector<16xi1>, vector<16xf32>
      %select_n3A_869 = arith.select %gt3A_867, %add3A_866, %select_n3A_853 : vector<16xi1>, vector<16xi32>
      %select_n3A_870 = arith.select %gt3A_867, %select_n3A_852, %get3A_863 : vector<16xi1>, vector<16xf32>
      %select_n3A_871 = arith.select %gt3A_867, %select_n3A_853, %add3A_866 : vector<16xi1>, vector<16xi32>
      %gt3A_872 = arith.cmpf ogt, %select_n3A_870, %select_n3A_857 : vector<16xf32>
      %select_n3A_873 = arith.select %gt3A_872, %select_n3A_870, %select_n3A_857 : vector<16xi1>, vector<16xf32>
      %select_n3A_874 = arith.select %gt3A_872, %select_n3A_871, %select_n3A_858 : vector<16xi1>, vector<16xi32>
      %get3A_875 = arith.constant 54 : i32
      %get3A_876 = arith.index_cast %get3A_875 : i32 to index
      %get3A_877 = arith.index_cast %mul3A_10 : i32 to index
      %get3A_878 = tpu.vector_load %arg7[%get3A_876, %get3A_877] {strides = array<i32>} : memref<64x1024xf32, #tpu.memory_space<vmem>>, vector<1x16xf32>,
      %get3A_879 = vector.shape_cast %get3A_878 : vector<1x16xf32> to vector<16xf32>
      %add3A_880 = arith.constant 54 : i32
      %add3A_881 = vector.broadcast %add3A_880 : i32 to vector<16xi32>
      %add3A_882 = arith.addi %broadcast_in_dim3A_13, %add3A_881 : vector<16xi32>
      %gt3A_883 = arith.cmpf ogt, %get3A_879, %select_n3A_868 : vector<16xf32>
      %select_n3A_884 = arith.select %gt3A_883, %get3A_879, %select_n3A_868 : vector<16xi1>, vector<16xf32>
      %select_n3A_885 = arith.select %gt3A_883, %add3A_882, %select_n3A_869 : vector<16xi1>, vector<16xi32>
      %select_n3A_886 = arith.select %gt3A_883, %select_n3A_868, %get3A_879 : vector<16xi1>, vector<16xf32>
      %select_n3A_887 = arith.select %gt3A_883, %select_n3A_869, %add3A_882 : vector<16xi1>, vector<16xi32>
      %gt3A_888 = arith.cmpf ogt, %select_n3A_886, %select_n3A_873 : vector<16xf32>
      %select_n3A_889 = arith.select %gt3A_888, %select_n3A_886, %select_n3A_873 : vector<16xi1>, vector<16xf32>
      %select_n3A_890 = arith.select %gt3A_888, %select_n3A_887, %select_n3A_874 : vector<16xi1>, vector<16xi32>
      %get3A_891 = arith.constant 55 : i32
      %get3A_892 = arith.index_cast %get3A_891 : i32 to index
      %get3A_893 = arith.index_cast %mul3A_10 : i32 to index
      %get3A_894 = tpu.vector_load %arg7[%get3A_892, %get3A_893] {strides = array<i32>} : memref<64x1024xf32, #tpu.memory_space<vmem>>, vector<1x16xf32>,
      %get3A_895 = vector.shape_cast %get3A_894 : vector<1x16xf32> to vector<16xf32>
      %add3A_896 = arith.constant 55 : i32
      %add3A_897 = vector.broadcast %add3A_896 : i32 to vector<16xi32>
      %add3A_898 = arith.addi %broadcast_in_dim3A_13, %add3A_897 : vector<16xi32>
      %gt3A_899 = arith.cmpf ogt, %get3A_895, %select_n3A_884 : vector<16xf32>
      %select_n3A_900 = arith.select %gt3A_899, %get3A_895, %select_n3A_884 : vector<16xi1>, vector<16xf32>
      %select_n3A_901 = arith.select %gt3A_899, %add3A_898, %select_n3A_885 : vector<16xi1>, vector<16xi32>
      %select_n3A_902 = arith.select %gt3A_899, %select_n3A_884, %get3A_895 : vector<16xi1>, vector<16xf32>
      %select_n3A_903 = arith.select %gt3A_899, %select_n3A_885, %add3A_898 : vector<16xi1>, vector<16xi32>
      %gt3A_904 = arith.cmpf ogt, %select_n3A_902, %select_n3A_889 : vector<16xf32>
      %select_n3A_905 = arith.select %gt3A_904, %select_n3A_902, %select_n3A_889 : vector<16xi1>, vector<16xf32>
      %select_n3A_906 = arith.select %gt3A_904, %select_n3A_903, %select_n3A_890 : vector<16xi1>, vector<16xi32>
      %get3A_907 = arith.constant 56 : i32
      %get3A_908 = arith.index_cast %get3A_907 : i32 to index
      %get3A_909 = arith.index_cast %mul3A_10 : i32 to index
      %get3A_910 = tpu.vector_load %arg7[%get3A_908, %get3A_909] {strides = array<i32>} : memref<64x1024xf32, #tpu.memory_space<vmem>>, vector<1x16xf32>,
      %get3A_911 = vector.shape_cast %get3A_910 : vector<1x16xf32> to vector<16xf32>
      %add3A_912 = arith.constant 56 : i32
      %add3A_913 = vector.broadcast %add3A_912 : i32 to vector<16xi32>
      %add3A_914 = arith.addi %broadcast_in_dim3A_13, %add3A_913 : vector<16xi32>
      %gt3A_915 = arith.cmpf ogt, %get3A_911, %select_n3A_900 : vector<16xf32>
      %select_n3A_916 = arith.select %gt3A_915, %get3A_911, %select_n3A_900 : vector<16xi1>, vector<16xf32>
      %select_n3A_917 = arith.select %gt3A_915, %add3A_914, %select_n3A_901 : vector<16xi1>, vector<16xi32>
      %select_n3A_918 = arith.select %gt3A_915, %select_n3A_900, %get3A_911 : vector<16xi1>, vector<16xf32>
      %select_n3A_919 = arith.select %gt3A_915, %select_n3A_901, %add3A_914 : vector<16xi1>, vector<16xi32>
      %gt3A_920 = arith.cmpf ogt, %select_n3A_918, %select_n3A_905 : vector<16xf32>
      %select_n3A_921 = arith.select %gt3A_920, %select_n3A_918, %select_n3A_905 : vector<16xi1>, vector<16xf32>
      %select_n3A_922 = arith.select %gt3A_920, %select_n3A_919, %select_n3A_906 : vector<16xi1>, vector<16xi32>
      %get3A_923 = arith.constant 57 : i32
      %get3A_924 = arith.index_cast %get3A_923 : i32 to index
      %get3A_925 = arith.index_cast %mul3A_10 : i32 to index
      %get3A_926 = tpu.vector_load %arg7[%get3A_924, %get3A_925] {strides = array<i32>} : memref<64x1024xf32, #tpu.memory_space<vmem>>, vector<1x16xf32>,
      %get3A_927 = vector.shape_cast %get3A_926 : vector<1x16xf32> to vector<16xf32>
      %add3A_928 = arith.constant 57 : i32
      %add3A_929 = vector.broadcast %add3A_928 : i32 to vector<16xi32>
      %add3A_930 = arith.addi %broadcast_in_dim3A_13, %add3A_929 : vector<16xi32>
      %gt3A_931 = arith.cmpf ogt, %get3A_927, %select_n3A_916 : vector<16xf32>
      %select_n3A_932 = arith.select %gt3A_931, %get3A_927, %select_n3A_916 : vector<16xi1>, vector<16xf32>
      %select_n3A_933 = arith.select %gt3A_931, %add3A_930, %select_n3A_917 : vector<16xi1>, vector<16xi32>
      %select_n3A_934 = arith.select %gt3A_931, %select_n3A_916, %get3A_927 : vector<16xi1>, vector<16xf32>
      %select_n3A_935 = arith.select %gt3A_931, %select_n3A_917, %add3A_930 : vector<16xi1>, vector<16xi32>
      %gt3A_936 = arith.cmpf ogt, %select_n3A_934, %select_n3A_921 : vector<16xf32>
      %select_n3A_937 = arith.select %gt3A_936, %select_n3A_934, %select_n3A_921 : vector<16xi1>, vector<16xf32>
      %select_n3A_938 = arith.select %gt3A_936, %select_n3A_935, %select_n3A_922 : vector<16xi1>, vector<16xi32>
      %get3A_939 = arith.constant 58 : i32
      %get3A_940 = arith.index_cast %get3A_939 : i32 to index
      %get3A_941 = arith.index_cast %mul3A_10 : i32 to index
      %get3A_942 = tpu.vector_load %arg7[%get3A_940, %get3A_941] {strides = array<i32>} : memref<64x1024xf32, #tpu.memory_space<vmem>>, vector<1x16xf32>,
      %get3A_943 = vector.shape_cast %get3A_942 : vector<1x16xf32> to vector<16xf32>
      %add3A_944 = arith.constant 58 : i32
      %add3A_945 = vector.broadcast %add3A_944 : i32 to vector<16xi32>
      %add3A_946 = arith.addi %broadcast_in_dim3A_13, %add3A_945 : vector<16xi32>
      %gt3A_947 = arith.cmpf ogt, %get3A_943, %select_n3A_932 : vector<16xf32>
      %select_n3A_948 = arith.select %gt3A_947, %get3A_943, %select_n3A_932 : vector<16xi1>, vector<16xf32>
      %select_n3A_949 = arith.select %gt3A_947, %add3A_946, %select_n3A_933 : vector<16xi1>, vector<16xi32>
      %select_n3A_950 = arith.select %gt3A_947, %select_n3A_932, %get3A_943 : vector<16xi1>, vector<16xf32>
      %select_n3A_951 = arith.select %gt3A_947, %select_n3A_933, %add3A_946 : vector<16xi1>, vector<16xi32>
      %gt3A_952 = arith.cmpf ogt, %select_n3A_950, %select_n3A_937 : vector<16xf32>
      %select_n3A_953 = arith.select %gt3A_952, %select_n3A_950, %select_n3A_937 : vector<16xi1>, vector<16xf32>
      %select_n3A_954 = arith.select %gt3A_952, %select_n3A_951, %select_n3A_938 : vector<16xi1>, vector<16xi32>
      %get3A_955 = arith.constant 59 : i32
      %get3A_956 = arith.index_cast %get3A_955 : i32 to index
      %get3A_957 = arith.index_cast %mul3A_10 : i32 to index
      %get3A_958 = tpu.vector_load %arg7[%get3A_956, %get3A_957] {strides = array<i32>} : memref<64x1024xf32, #tpu.memory_space<vmem>>, vector<1x16xf32>,
      %get3A_959 = vector.shape_cast %get3A_958 : vector<1x16xf32> to vector<16xf32>
      %add3A_960 = arith.constant 59 : i32
      %add3A_961 = vector.broadcast %add3A_960 : i32 to vector<16xi32>
      %add3A_962 = arith.addi %broadcast_in_dim3A_13, %add3A_961 : vector<16xi32>
      %gt3A_963 = arith.cmpf ogt, %get3A_959, %select_n3A_948 : vector<16xf32>
      %select_n3A_964 = arith.select %gt3A_963, %get3A_959, %select_n3A_948 : vector<16xi1>, vector<16xf32>
      %select_n3A_965 = arith.select %gt3A_963, %add3A_962, %select_n3A_949 : vector<16xi1>, vector<16xi32>
      %select_n3A_966 = arith.select %gt3A_963, %select_n3A_948, %get3A_959 : vector<16xi1>, vector<16xf32>
      %select_n3A_967 = arith.select %gt3A_963, %select_n3A_949, %add3A_962 : vector<16xi1>, vector<16xi32>
      %gt3A_968 = arith.cmpf ogt, %select_n3A_966, %select_n3A_953 : vector<16xf32>
      %select_n3A_969 = arith.select %gt3A_968, %select_n3A_966, %select_n3A_953 : vector<16xi1>, vector<16xf32>
      %select_n3A_970 = arith.select %gt3A_968, %select_n3A_967, %select_n3A_954 : vector<16xi1>, vector<16xi32>
      %get3A_971 = arith.constant 60 : i32
      %get3A_972 = arith.index_cast %get3A_971 : i32 to index
      %get3A_973 = arith.index_cast %mul3A_10 : i32 to index
      %get3A_974 = tpu.vector_load %arg7[%get3A_972, %get3A_973] {strides = array<i32>} : memref<64x1024xf32, #tpu.memory_space<vmem>>, vector<1x16xf32>,
      %get3A_975 = vector.shape_cast %get3A_974 : vector<1x16xf32> to vector<16xf32>
      %add3A_976 = arith.constant 60 : i32
      %add3A_977 = vector.broadcast %add3A_976 : i32 to vector<16xi32>
      %add3A_978 = arith.addi %broadcast_in_dim3A_13, %add3A_977 : vector<16xi32>
      %gt3A_979 = arith.cmpf ogt, %get3A_975, %select_n3A_964 : vector<16xf32>
      %select_n3A_980 = arith.select %gt3A_979, %get3A_975, %select_n3A_964 : vector<16xi1>, vector<16xf32>
      %select_n3A_981 = arith.select %gt3A_979, %add3A_978, %select_n3A_965 : vector<16xi1>, vector<16xi32>
      %select_n3A_982 = arith.select %gt3A_979, %select_n3A_964, %get3A_975 : vector<16xi1>, vector<16xf32>
      %select_n3A_983 = arith.select %gt3A_979, %select_n3A_965, %add3A_978 : vector<16xi1>, vector<16xi32>
      %gt3A_984 = arith.cmpf ogt, %select_n3A_982, %select_n3A_969 : vector<16xf32>
      %select_n3A_985 = arith.select %gt3A_984, %select_n3A_982, %select_n3A_969 : vector<16xi1>, vector<16xf32>
      %select_n3A_986 = arith.select %gt3A_984, %select_n3A_983, %select_n3A_970 : vector<16xi1>, vector<16xi32>
      %get3A_987 = arith.constant 61 : i32
      %get3A_988 = arith.index_cast %get3A_987 : i32 to index
      %get3A_989 = arith.index_cast %mul3A_10 : i32 to index
      %get3A_990 = tpu.vector_load %arg7[%get3A_988, %get3A_989] {strides = array<i32>} : memref<64x1024xf32, #tpu.memory_space<vmem>>, vector<1x16xf32>,
      %get3A_991 = vector.shape_cast %get3A_990 : vector<1x16xf32> to vector<16xf32>
      %add3A_992 = arith.constant 61 : i32
      %add3A_993 = vector.broadcast %add3A_992 : i32 to vector<16xi32>
      %add3A_994 = arith.addi %broadcast_in_dim3A_13, %add3A_993 : vector<16xi32>
      %gt3A_995 = arith.cmpf ogt, %get3A_991, %select_n3A_980 : vector<16xf32>
      %select_n3A_996 = arith.select %gt3A_995, %get3A_991, %select_n3A_980 : vector<16xi1>, vector<16xf32>
      %select_n3A_997 = arith.select %gt3A_995, %add3A_994, %select_n3A_981 : vector<16xi1>, vector<16xi32>
      %select_n3A_998 = arith.select %gt3A_995, %select_n3A_980, %get3A_991 : vector<16xi1>, vector<16xf32>
      %select_n3A_999 = arith.select %gt3A_995, %select_n3A_981, %add3A_994 : vector<16xi1>, vector<16xi32>
      %gt3A_1000 = arith.cmpf ogt, %select_n3A_998, %select_n3A_985 : vector<16xf32>
      %select_n3A_1001 = arith.select %gt3A_1000, %select_n3A_998, %select_n3A_985 : vector<16xi1>, vector<16xf32>
      %select_n3A_1002 = arith.select %gt3A_1000, %select_n3A_999, %select_n3A_986 : vector<16xi1>, vector<16xi32>
      %get3A_1003 = arith.constant 62 : i32
      %get3A_1004 = arith.index_cast %get3A_1003 : i32 to index
      %get3A_1005 = arith.index_cast %mul3A_10 : i32 to index
      %get3A_1006 = tpu.vector_load %arg7[%get3A_1004, %get3A_1005] {strides = array<i32>} : memref<64x1024xf32, #tpu.memory_space<vmem>>, vector<1x16xf32>,
      %get3A_1007 = vector.shape_cast %get3A_1006 : vector<1x16xf32> to vector<16xf32>
      %add3A_1008 = arith.constant 62 : i32
      %add3A_1009 = vector.broadcast %add3A_1008 : i32 to vector<16xi32>
      %add3A_1010 = arith.addi %broadcast_in_dim3A_13, %add3A_1009 : vector<16xi32>
      %gt3A_1011 = arith.cmpf ogt, %get3A_1007, %select_n3A_996 : vector<16xf32>
      %select_n3A_1012 = arith.select %gt3A_1011, %get3A_1007, %select_n3A_996 : vector<16xi1>, vector<16xf32>
      %select_n3A_1013 = arith.select %gt3A_1011, %add3A_1010, %select_n3A_997 : vector<16xi1>, vector<16xi32>
      %select_n3A_1014 = arith.select %gt3A_1011, %select_n3A_996, %get3A_1007 : vector<16xi1>, vector<16xf32>
      %select_n3A_1015 = arith.select %gt3A_1011, %select_n3A_997, %add3A_1010 : vector<16xi1>, vector<16xi32>
      %gt3A_1016 = arith.cmpf ogt, %select_n3A_1014, %select_n3A_1001 : vector<16xf32>
      %select_n3A_1017 = arith.select %gt3A_1016, %select_n3A_1014, %select_n3A_1001 : vector<16xi1>, vector<16xf32>
      %select_n3A_1018 = arith.select %gt3A_1016, %select_n3A_1015, %select_n3A_1002 : vector<16xi1>, vector<16xi32>
      %get3A_1019 = arith.constant 63 : i32
      %get3A_1020 = arith.index_cast %get3A_1019 : i32 to index
      %get3A_1021 = arith.index_cast %mul3A_10 : i32 to index
      %get3A_1022 = tpu.vector_load %arg7[%get3A_1020, %get3A_1021] {strides = array<i32>} : memref<64x1024xf32, #tpu.memory_space<vmem>>, vector<1x16xf32>,
      %get3A_1023 = vector.shape_cast %get3A_1022 : vector<1x16xf32> to vector<16xf32>
      %add3A_1024 = arith.constant 63 : i32
      %add3A_1025 = vector.broadcast %add3A_1024 : i32 to vector<16xi32>
      %add3A_1026 = arith.addi %broadcast_in_dim3A_13, %add3A_1025 : vector<16xi32>
      %gt3A_1027 = arith.cmpf ogt, %get3A_1023, %select_n3A_1012 : vector<16xf32>
      %select_n3A_1028 = arith.select %gt3A_1027, %get3A_1023, %select_n3A_1012 : vector<16xi1>, vector<16xf32>
      %select_n3A_1029 = arith.select %gt3A_1027, %add3A_1026, %select_n3A_1013 : vector<16xi1>, vector<16xi32>
      %select_n3A_1030 = arith.select %gt3A_1027, %select_n3A_1012, %get3A_1023 : vector<16xi1>, vector<16xf32>
      %select_n3A_1031 = arith.select %gt3A_1027, %select_n3A_1013, %add3A_1026 : vector<16xi1>, vector<16xi32>
      %gt3A_1032 = arith.cmpf ogt, %select_n3A_1030, %select_n3A_1017 : vector<16xf32>
      %select_n3A_1033 = arith.select %gt3A_1032, %select_n3A_1030, %select_n3A_1017 : vector<16xi1>, vector<16xf32>
      %select_n3A_1034 = arith.select %gt3A_1032, %select_n3A_1031, %select_n3A_1018 : vector<16xi1>, vector<16xi32>
      %sub3A = arith.subf %select_n3A_1033, %select_n3A_1028 : vector<16xf32>
      %exp3A = math.exp %sub3A : vector<16xf32>
      %add3A_1035 = arith.constant 1.000000e+00 : f32
      %add3A_1036 = vector.broadcast %add3A_1035 : f32 to vector<16xf32>
      %add3A_1037 = arith.addf %add3A_1036, %exp3A : vector<16xf32>
      %div3A = arith.constant 1.000000e+00 : f32
      %div3A_1038 = vector.broadcast %div3A : f32 to vector<16xf32>
      %div3A_1039 = arith.divf %div3A_1038, %add3A_1037 : vector<16xf32>
      %swap3A = arith.index_cast %mul3A_10 : i32 to index
      %swap3A_1040 = tpu.vector_load %arg8[%swap3A] {strides = array<i32>} : memref<1024xf32, #tpu.memory_space<vmem>>, vector<16xf32>,
      %swap3A_1041 = vector.shape_cast %swap3A_1040 : vector<16xf32> to vector<16xf32>
      %swap3A_1042 = vector.shape_cast %div3A_1039 : vector<16xf32> to vector<16xf32>
      tpu.vector_store %arg8[%swap3A], %swap3A_1042 {strides = array<i32>} : memref<1024xf32, #tpu.memory_space<vmem>>, vector<16xf32>,
      %div3A_1043 = arith.divf %exp3A, %add3A_1037 : vector<16xf32>
      %swap3A_1044 = arith.index_cast %mul3A_10 : i32 to index
      %swap3A_1045 = tpu.vector_load %arg9[%swap3A_1044] {strides = array<i32>} : memref<1024xf32, #tpu.memory_space<vmem>>, vector<16xf32>,
      %swap3A_1046 = vector.shape_cast %swap3A_1045 : vector<16xf32> to vector<16xf32>
      %swap3A_1047 = vector.shape_cast %div3A_1043 : vector<16xf32> to vector<16xf32>
      tpu.vector_store %arg9[%swap3A_1044], %swap3A_1047 {strides = array<i32>} : memref<1024xf32, #tpu.memory_space<vmem>>, vector<16xf32>,
      %swap3A_1048 = arith.index_cast %mul3A_10 : i32 to index
      %swap3A_1049 = tpu.vector_load %arg10[%swap3A_1048] {strides = array<i32>} : memref<1024xi32, #tpu.memory_space<vmem>>, vector<16xi32>,
      %swap3A_1050 = vector.shape_cast %swap3A_1049 : vector<16xi32> to vector<16xi32>
      %swap3A_1051 = vector.shape_cast %select_n3A_1029 : vector<16xi32> to vector<16xi32>
      tpu.vector_store %arg10[%swap3A_1048], %swap3A_1051 {strides = array<i32>} : memref<1024xi32, #tpu.memory_space<vmem>>, vector<16xi32>,
      %swap3A_1052 = arith.index_cast %mul3A_10 : i32 to index
      %swap3A_1053 = tpu.vector_load %arg11[%swap3A_1052] {strides = array<i32>} : memref<1024xi32, #tpu.memory_space<vmem>>, vector<16xi32>,
      %swap3A_1054 = vector.shape_cast %swap3A_1053 : vector<16xi32> to vector<16xi32>
      %swap3A_1055 = vector.shape_cast %select_n3A_1034 : vector<16xi32> to vector<16xi32>
      tpu.vector_store %arg11[%swap3A_1052], %swap3A_1055 {strides = array<i32>} : memref<1024xi32, #tpu.memory_space<vmem>>, vector<16xi32>,
    }
    %scan3A_7 = arith.constant 64 : i32
    "tpu.region"() ({
      %run_scoped3A = tpu.sem_alloc : memref<!tpu.dma_semaphore, #tpu.memory_space<semaphore_mem>>
      %dma_start3A = tpu.memref_slice %arg3[%mul3A_2] : memref<32768xf32, #tpu.memory_space<hbm>> -> memref<1024xf32, #tpu.memory_space<hbm>>
      %dma_start3A_8 = tpu.memref_slice %arg3[%mul3A_2] : memref<32768xf32, #tpu.memory_space<hbm>> -> memref<1024xf32, #tpu.memory_space<hbm>>
      tpu.enqueue_dma source(%arg8 : memref<1024xf32, #tpu.memory_space<vmem>>) target(%dma_start3A_8 : memref<1024xf32, #tpu.memory_space<hbm>>) target_semaphore(%run_scoped3A : memref<!tpu.dma_semaphore, #tpu.memory_space<semaphore_mem>>)
      %dma_wait3A = tpu.memref_slice %arg3[%mul3A_2] : memref<32768xf32, #tpu.memory_space<hbm>> -> memref<1024xf32, #tpu.memory_space<hbm>>
      %dma_wait3A_9 = tpu.memref_slice %arg3[%mul3A_2] : memref<32768xf32, #tpu.memory_space<hbm>> -> memref<1024xf32, #tpu.memory_space<hbm>>
      tpu.wait_dma2 semaphore(%run_scoped3A : memref<!tpu.dma_semaphore, #tpu.memory_space<semaphore_mem>>) src(%arg8 : memref<1024xf32, #tpu.memory_space<vmem>>) dst(%dma_wait3A_9 : memref<1024xf32, #tpu.memory_space<hbm>>)
      tpu.yield
    }) : () -> ()
    "tpu.region"() ({
      %run_scoped3A = tpu.sem_alloc : memref<!tpu.dma_semaphore, #tpu.memory_space<semaphore_mem>>
      %dma_start3A = tpu.memref_slice %arg4[%mul3A_2] : memref<32768xf32, #tpu.memory_space<hbm>> -> memref<1024xf32, #tpu.memory_space<hbm>>
      %dma_start3A_8 = tpu.memref_slice %arg4[%mul3A_2] : memref<32768xf32, #tpu.memory_space<hbm>> -> memref<1024xf32, #tpu.memory_space<hbm>>
      tpu.enqueue_dma source(%arg9 : memref<1024xf32, #tpu.memory_space<vmem>>) target(%dma_start3A_8 : memref<1024xf32, #tpu.memory_space<hbm>>) target_semaphore(%run_scoped3A : memref<!tpu.dma_semaphore, #tpu.memory_space<semaphore_mem>>)
      %dma_wait3A = tpu.memref_slice %arg4[%mul3A_2] : memref<32768xf32, #tpu.memory_space<hbm>> -> memref<1024xf32, #tpu.memory_space<hbm>>
      %dma_wait3A_9 = tpu.memref_slice %arg4[%mul3A_2] : memref<32768xf32, #tpu.memory_space<hbm>> -> memref<1024xf32, #tpu.memory_space<hbm>>
      tpu.wait_dma2 semaphore(%run_scoped3A : memref<!tpu.dma_semaphore, #tpu.memory_space<semaphore_mem>>) src(%arg9 : memref<1024xf32, #tpu.memory_space<vmem>>) dst(%dma_wait3A_9 : memref<1024xf32, #tpu.memory_space<hbm>>)
      tpu.yield
    }) : () -> ()
    "tpu.region"() ({
      %run_scoped3A = tpu.sem_alloc : memref<!tpu.dma_semaphore, #tpu.memory_space<semaphore_mem>>
      %dma_start3A = tpu.memref_slice %arg5[%mul3A_2] : memref<32768xi32, #tpu.memory_space<hbm>> -> memref<1024xi32, #tpu.memory_space<hbm>>
      %dma_start3A_8 = tpu.memref_slice %arg5[%mul3A_2] : memref<32768xi32, #tpu.memory_space<hbm>> -> memref<1024xi32, #tpu.memory_space<hbm>>
      tpu.enqueue_dma source(%arg10 : memref<1024xi32, #tpu.memory_space<vmem>>) target(%dma_start3A_8 : memref<1024xi32, #tpu.memory_space<hbm>>) target_semaphore(%run_scoped3A : memref<!tpu.dma_semaphore, #tpu.memory_space<semaphore_mem>>)
      %dma_wait3A = tpu.memref_slice %arg5[%mul3A_2] : memref<32768xi32, #tpu.memory_space<hbm>> -> memref<1024xi32, #tpu.memory_space<hbm>>
      %dma_wait3A_9 = tpu.memref_slice %arg5[%mul3A_2] : memref<32768xi32, #tpu.memory_space<hbm>> -> memref<1024xi32, #tpu.memory_space<hbm>>
      tpu.wait_dma2 semaphore(%run_scoped3A : memref<!tpu.dma_semaphore, #tpu.memory_space<semaphore_mem>>) src(%arg10 : memref<1024xi32, #tpu.memory_space<vmem>>) dst(%dma_wait3A_9 : memref<1024xi32, #tpu.memory_space<hbm>>)
      tpu.yield
    }) : () -> ()
    "tpu.region"() ({
      %run_scoped3A = tpu.sem_alloc : memref<!tpu.dma_semaphore, #tpu.memory_space<semaphore_mem>>
      %dma_start3A = tpu.memref_slice %arg6[%mul3A_2] : memref<32768xi32, #tpu.memory_space<hbm>> -> memref<1024xi32, #tpu.memory_space<hbm>>
      %dma_start3A_8 = tpu.memref_slice %arg6[%mul3A_2] : memref<32768xi32, #tpu.memory_space<hbm>> -> memref<1024xi32, #tpu.memory_space<hbm>>
      tpu.enqueue_dma source(%arg11 : memref<1024xi32, #tpu.memory_space<vmem>>) target(%dma_start3A_8 : memref<1024xi32, #tpu.memory_space<hbm>>) target_semaphore(%run_scoped3A : memref<!tpu.dma_semaphore, #tpu.memory_space<semaphore_mem>>)
      %dma_wait3A = tpu.memref_slice %arg6[%mul3A_2] : memref<32768xi32, #tpu.memory_space<hbm>> -> memref<1024xi32, #tpu.memory_space<hbm>>
      %dma_wait3A_9 = tpu.memref_slice %arg6[%mul3A_2] : memref<32768xi32, #tpu.memory_space<hbm>> -> memref<1024xi32, #tpu.memory_space<hbm>>
      tpu.wait_dma2 semaphore(%run_scoped3A : memref<!tpu.dma_semaphore, #tpu.memory_space<semaphore_mem>>) src(%arg11 : memref<1024xi32, #tpu.memory_space<vmem>>) dst(%dma_wait3A_9 : memref<1024xi32, #tpu.memory_space<hbm>>)
      tpu.yield
    }) : () -> ()
    return
  }
}

module attributes {stable_mosaic.version = 14 : i64} {
  func.func @_main_body(%arg0: i32, %arg1: memref<1024x768xf32, #tpu.memory_space<vmem>>, %arg2: memref<768x768xf32, #tpu.memory_space<vmem>>, %arg3: memref<64x768xf32, #tpu.memory_space<vmem>>, %arg4: memref<1024x64xf32, #tpu.memory_space<vmem>>, %arg5: memref<64x1024xf32, #tpu.memory_space<vmem>>) attributes {dimension_semantics = [#tpu.dimension_semantics<arbitrary>], iteration_bounds = array<i64: 32>, scalar_prefetch = 0 : i64, scratch_operands = 0 : i64, tpu.core_type = #tpu.core_type<tc>, window_params = [{transform_indices = @transform_0, window_bounds = array<i64: 1024, 768>}, {pipeline_mode = #tpu.pipeline_mode<synchronous>, transform_indices = @transform_1, window_bounds = array<i64: 768, 768>}, {pipeline_mode = #tpu.pipeline_mode<synchronous>, transform_indices = @transform_2, window_bounds = array<i64: 64, 768>}, {transform_indices = @transform_3, window_bounds = array<i64: 1024, 64>}, {transform_indices = @transform_4, window_bounds = array<i64: 64, 1024>}]} {
    %get3A = arith.constant 0 : index
    %get3A_0 = arith.constant 0 : index
    %get3A_1 = vector.load %arg1[%get3A, %get3A_0] : memref<1024x768xf32, #tpu.memory_space<vmem>>, vector<1024x768xf32>
    %mul3A = arith.mulf %get3A_1, %get3A_1 : vector<1024x768xf32>
    %reduce_sum3A = arith.constant dense<0.000000e+00> : vector<1024xf32>
    %reduce_sum3A_2 = vector.multi_reduction <add>, %mul3A, %reduce_sum3A [1] : vector<1024x768xf32> to vector<1024xf32>
    %broadcast_in_dim3A = vector.shape_cast %reduce_sum3A_2 : vector<1024xf32> to vector<1024x1xf32>
    %sqrt3A = math.sqrt %broadcast_in_dim3A : vector<1024x1xf32>
    %max3A = arith.constant 9.99999996E-13 : f32
    %max3A_3 = vector.broadcast %max3A : f32 to vector<1024x1xf32>
    %max3A_4 = arith.maximumf %sqrt3A, %max3A_3 : vector<1024x1xf32>
    %div3A = vector.broadcast %max3A_4 : vector<1024x1xf32> to vector<1024x768xf32>
    %div3A_5 = arith.divf %get3A_1, %div3A : vector<1024x768xf32>
    %get3A_6 = arith.constant 0 : index
    %get3A_7 = arith.constant 0 : index
    %get3A_8 = vector.load %arg2[%get3A_6, %get3A_7] : memref<768x768xf32, #tpu.memory_space<vmem>>, vector<768x768xf32>
    %dot_general3A = arith.constant dense<0.000000e+00> : vector<1024x768xf32>
    %dot_general3A_9 = tpu.matmul %div3A_5, %get3A_8, %dot_general3A {dimension_numbers = #tpu.dot_dimension_numbers<[1], [0], [0], [1], [0, 0, 1, 1], [], []>, precision = #tpu.contract_precision<fp32>, transpose_lhs_hint = false} : vector<1024x768xf32>, vector<768x768xf32>, vector<1024x768xf32> -> vector<1024x768xf32>
    %mul3A_10 = arith.mulf %dot_general3A_9, %dot_general3A_9 : vector<1024x768xf32>
    %reduce_sum3A_11 = arith.constant dense<0.000000e+00> : vector<1024xf32>
    %reduce_sum3A_12 = vector.multi_reduction <add>, %mul3A_10, %reduce_sum3A_11 [1] : vector<1024x768xf32> to vector<1024xf32>
    %broadcast_in_dim3A_13 = vector.shape_cast %reduce_sum3A_12 : vector<1024xf32> to vector<1024x1xf32>
    %sqrt3A_14 = math.sqrt %broadcast_in_dim3A_13 : vector<1024x1xf32>
    %max3A_15 = arith.constant 9.99999996E-13 : f32
    %max3A_16 = vector.broadcast %max3A_15 : f32 to vector<1024x1xf32>
    %max3A_17 = arith.maximumf %sqrt3A_14, %max3A_16 : vector<1024x1xf32>
    %div3A_18 = vector.broadcast %max3A_17 : vector<1024x1xf32> to vector<1024x768xf32>
    %div3A_19 = arith.divf %dot_general3A_9, %div3A_18 : vector<1024x768xf32>
    %convert_element_type3A = arith.truncf %div3A_19 : vector<1024x768xf32> to vector<1024x768xbf16>
    %get3A_20 = arith.constant 0 : index
    %get3A_21 = arith.constant 0 : index
    %get3A_22 = vector.load %arg3[%get3A_20, %get3A_21] : memref<64x768xf32, #tpu.memory_space<vmem>>, vector<64x768xf32>
    %convert_element_type3A_23 = arith.truncf %get3A_22 : vector<64x768xf32> to vector<64x768xbf16>
    %dot_general3A_24 = arith.constant dense<0.000000e+00> : vector<1024x64xf32>
    %dot_general3A_25 = tpu.matmul %convert_element_type3A, %convert_element_type3A_23, %dot_general3A_24 {dimension_numbers = #tpu.dot_dimension_numbers<[1], [1], [0], [0], [0, 0, 1, 0], [], []>, transpose_lhs_hint = false} : vector<1024x768xbf16>, vector<64x768xbf16>, vector<1024x64xf32> -> vector<1024x64xf32>
    %swap3A = arith.constant 0 : index
    %swap3A_26 = arith.constant 0 : index
    %swap3A_27 = vector.load %arg4[%swap3A, %swap3A_26] : memref<1024x64xf32, #tpu.memory_space<vmem>>, vector<1024x64xf32>
    tpu.vector_store %arg4[%swap3A, %swap3A_26], %dot_general3A_25 {strides = array<i32>} : memref<1024x64xf32, #tpu.memory_space<vmem>>, vector<1024x64xf32>,
    %transpose3A = tpu.transpose %dot_general3A_25, [1, 0] : vector<1024x64xf32> -> vector<64x1024xf32>
    %swap3A_28 = arith.constant 0 : index
    %swap3A_29 = arith.constant 0 : index
    %swap3A_30 = vector.load %arg5[%swap3A_28, %swap3A_29] : memref<64x1024xf32, #tpu.memory_space<vmem>>, vector<64x1024xf32>
    tpu.vector_store %arg5[%swap3A_28, %swap3A_29], %transpose3A {strides = array<i32>} : memref<64x1024xf32, #tpu.memory_space<vmem>>, vector<64x1024xf32>,
    return
  }
  func.func @transform_0(%arg0: i32) -> (i32, i32) {
    %c0_i32 = arith.constant 0 : i32
    %c0_i32_0 = arith.constant 0 : i32
    return %arg0, %c0_i32 : i32, i32
  }
  func.func @transform_1(%arg0: i32) -> (i32, i32) {
    %c0_i32 = arith.constant 0 : i32
    %c0_i32_0 = arith.constant 0 : i32
    %c0_i32_1 = arith.constant 0 : i32
    return %c0_i32, %c0_i32_0 : i32, i32
  }
  func.func @transform_2(%arg0: i32) -> (i32, i32) {
    %c0_i32 = arith.constant 0 : i32
    %c0_i32_0 = arith.constant 0 : i32
    %c0_i32_1 = arith.constant 0 : i32
    return %c0_i32, %c0_i32_0 : i32, i32
  }
  func.func @transform_3(%arg0: i32) -> (i32, i32) {
    %c0_i32 = arith.constant 0 : i32
    %c0_i32_0 = arith.constant 0 : i32
    return %arg0, %c0_i32 : i32, i32
  }
  func.func @transform_4(%arg0: i32) -> (i32, i32) {
    %c0_i32 = arith.constant 0 : i32
    %c0_i32_0 = arith.constant 0 : i32
    return %c0_i32, %arg0 : i32, i32
  }
}

module attributes {stable_mosaic.version = 14 : i64} {
  func.func @_prep_body(%arg0: memref<64x768xf32, #tpu.memory_space<vmem>>, %arg1: memref<64x768xf32, #tpu.memory_space<vmem>>, %arg2: memref<768x768xf32, #tpu.memory_space<vmem>>, %arg3: memref<768x768xf32, #tpu.memory_space<vmem>>, %arg4: memref<768x768xf32, #tpu.memory_space<vmem>>, %arg5: memref<64x768xf32, #tpu.memory_space<vmem>>) attributes {dimension_semantics = [], scalar_prefetch = 0 : i64, scratch_operands = 0 : i64, tpu.core_type = #tpu.core_type<tc>} {
    %get3A = arith.constant 0 : index
    %get3A_0 = arith.constant 0 : index
    %get3A_1 = vector.load %arg0[%get3A, %get3A_0] : memref<64x768xf32, #tpu.memory_space<vmem>>, vector<64x768xf32>
    %mul3A = arith.mulf %get3A_1, %get3A_1 : vector<64x768xf32>
    %reduce_sum3A = arith.constant dense<0.000000e+00> : vector<64xf32>
    %reduce_sum3A_2 = vector.multi_reduction <add>, %mul3A, %reduce_sum3A [1] : vector<64x768xf32> to vector<64xf32>
    %broadcast_in_dim3A = vector.shape_cast %reduce_sum3A_2 : vector<64xf32> to vector<64x1xf32>
    %sqrt3A = math.sqrt %broadcast_in_dim3A : vector<64x1xf32>
    %max3A = arith.constant 9.99999996E-13 : f32
    %max3A_3 = vector.broadcast %max3A : f32 to vector<64x1xf32>
    %max3A_4 = arith.maximumf %sqrt3A, %max3A_3 : vector<64x1xf32>
    %div3A = vector.broadcast %max3A_4 : vector<64x1xf32> to vector<64x768xf32>
    %div3A_5 = arith.divf %get3A_1, %div3A : vector<64x768xf32>
    %get3A_6 = arith.constant 0 : index
    %get3A_7 = arith.constant 0 : index
    %get3A_8 = vector.load %arg1[%get3A_6, %get3A_7] : memref<64x768xf32, #tpu.memory_space<vmem>>, vector<64x768xf32>
    %mul3A_9 = arith.mulf %get3A_8, %get3A_8 : vector<64x768xf32>
    %reduce_sum3A_10 = arith.constant dense<0.000000e+00> : vector<64xf32>
    %reduce_sum3A_11 = vector.multi_reduction <add>, %mul3A_9, %reduce_sum3A_10 [1] : vector<64x768xf32> to vector<64xf32>
    %broadcast_in_dim3A_12 = vector.shape_cast %reduce_sum3A_11 : vector<64xf32> to vector<64x1xf32>
    %sqrt3A_13 = math.sqrt %broadcast_in_dim3A_12 : vector<64x1xf32>
    %max3A_14 = arith.constant 9.99999996E-13 : f32
    %max3A_15 = vector.broadcast %max3A_14 : f32 to vector<64x1xf32>
    %max3A_16 = arith.maximumf %sqrt3A_13, %max3A_15 : vector<64x1xf32>
    %div3A_17 = vector.broadcast %max3A_16 : vector<64x1xf32> to vector<64x768xf32>
    %div3A_18 = arith.divf %get3A_8, %div3A_17 : vector<64x768xf32>
    %swap3A = arith.constant 0 : index
    %swap3A_19 = arith.constant 0 : index
    %swap3A_20 = vector.load %arg5[%swap3A, %swap3A_19] : memref<64x768xf32, #tpu.memory_space<vmem>>, vector<64x768xf32>
    tpu.vector_store %arg5[%swap3A, %swap3A_19], %div3A_18 {strides = array<i32>} : memref<64x768xf32, #tpu.memory_space<vmem>>, vector<64x768xf32>,
    %get3A_21 = arith.constant 0 : index
    %get3A_22 = arith.constant 0 : index
    %get3A_23 = vector.load %arg2[%get3A_21, %get3A_22] : memref<768x768xf32, #tpu.memory_space<vmem>>, vector<768x768xf32>
    %get3A_24 = arith.constant 0 : index
    %get3A_25 = arith.constant 0 : index
    %get3A_26 = vector.load %arg3[%get3A_24, %get3A_25] : memref<768x768xf32, #tpu.memory_space<vmem>>, vector<768x768xf32>
    %dot_general3A = arith.constant dense<0.000000e+00> : vector<64x768xf32>
    %dot_general3A_27 = tpu.matmul %div3A_18, %get3A_23, %dot_general3A {dimension_numbers = #tpu.dot_dimension_numbers<[1], [0], [0], [1], [0, 0, 1, 1], [], []>, precision = #tpu.contract_precision<fp32>, transpose_lhs_hint = false} : vector<64x768xf32>, vector<768x768xf32>, vector<64x768xf32> -> vector<64x768xf32>
    %dot_general3A_28 = arith.constant dense<0.000000e+00> : vector<64x768xf32>
    %dot_general3A_29 = tpu.matmul %div3A_18, %get3A_26, %dot_general3A_28 {dimension_numbers = #tpu.dot_dimension_numbers<[1], [0], [0], [1], [0, 0, 1, 1], [], []>, precision = #tpu.contract_precision<fp32>, transpose_lhs_hint = false} : vector<64x768xf32>, vector<768x768xf32>, vector<64x768xf32> -> vector<64x768xf32>
    %dot_general3A_30 = arith.constant dense<0.000000e+00> : vector<64x768xf32>
    %dot_general3A_31 = tpu.matmul %div3A_5, %get3A_23, %dot_general3A_30 {dimension_numbers = #tpu.dot_dimension_numbers<[1], [0], [0], [1], [0, 0, 1, 1], [], []>, precision = #tpu.contract_precision<fp32>, transpose_lhs_hint = false} : vector<64x768xf32>, vector<768x768xf32>, vector<64x768xf32> -> vector<64x768xf32>
    %dot_general3A_32 = arith.constant dense<0.000000e+00> : vector<64x768xf32>
    %dot_general3A_33 = tpu.matmul %div3A_5, %get3A_26, %dot_general3A_32 {dimension_numbers = #tpu.dot_dimension_numbers<[1], [0], [0], [1], [0, 0, 1, 1], [], []>, precision = #tpu.contract_precision<fp32>, transpose_lhs_hint = false} : vector<64x768xf32>, vector<768x768xf32>, vector<64x768xf32> -> vector<64x768xf32>
    %mul3A_34 = arith.mulf %dot_general3A_27, %dot_general3A_31 : vector<64x768xf32>
    %mul3A_35 = arith.mulf %dot_general3A_29, %dot_general3A_33 : vector<64x768xf32>
    %sub3A = arith.subf %mul3A_34, %mul3A_35 : vector<64x768xf32>
    %reduce_sum3A_36 = arith.constant dense<0.000000e+00> : vector<768xf32>
    %reduce_sum3A_37 = vector.multi_reduction <add>, %sub3A, %reduce_sum3A_36 [0] : vector<64x768xf32> to vector<768xf32>
    %broadcast_in_dim3A_38 = vector.shape_cast %reduce_sum3A_37 : vector<768xf32> to vector<1x768xf32>
    %mul3A_39 = arith.mulf %dot_general3A_27, %dot_general3A_33 : vector<64x768xf32>
    %mul3A_40 = arith.mulf %dot_general3A_29, %dot_general3A_31 : vector<64x768xf32>
    %add3A = arith.addf %mul3A_39, %mul3A_40 : vector<64x768xf32>
    %reduce_sum3A_41 = arith.constant dense<0.000000e+00> : vector<768xf32>
    %reduce_sum3A_42 = vector.multi_reduction <add>, %add3A, %reduce_sum3A_41 [0] : vector<64x768xf32> to vector<768xf32>
    %broadcast_in_dim3A_43 = vector.shape_cast %reduce_sum3A_42 : vector<768xf32> to vector<1x768xf32>
    %neg3A = arith.constant 0.000000e+00 : f32
    %neg3A_44 = vector.broadcast %neg3A : f32 to vector<1x768xf32>
    %neg3A_45 = arith.subf %neg3A_44, %broadcast_in_dim3A_43 : vector<1x768xf32>
    %mul3A_46 = vector.broadcast %broadcast_in_dim3A_38 : vector<1x768xf32> to vector<768x768xf32>
    %mul3A_47 = arith.mulf %get3A_23, %mul3A_46 : vector<768x768xf32>
    %mul3A_48 = vector.broadcast %neg3A_45 : vector<1x768xf32> to vector<768x768xf32>
    %mul3A_49 = arith.mulf %get3A_26, %mul3A_48 : vector<768x768xf32>
    %sub3A_50 = arith.subf %mul3A_47, %mul3A_49 : vector<768x768xf32>
    %mul3A_51 = arith.constant 0.00130208337 : f32
    %mul3A_52 = vector.broadcast %mul3A_51 : f32 to vector<768x768xf32>
    %mul3A_53 = arith.mulf %sub3A_50, %mul3A_52 : vector<768x768xf32>
    %mul3A_54 = vector.broadcast %broadcast_in_dim3A_38 : vector<1x768xf32> to vector<768x768xf32>
    %mul3A_55 = arith.mulf %get3A_26, %mul3A_54 : vector<768x768xf32>
    %mul3A_56 = vector.broadcast %neg3A_45 : vector<1x768xf32> to vector<768x768xf32>
    %mul3A_57 = arith.mulf %get3A_23, %mul3A_56 : vector<768x768xf32>
    %add3A_58 = arith.addf %mul3A_55, %mul3A_57 : vector<768x768xf32>
    %mul3A_59 = arith.constant 0.00130208337 : f32
    %mul3A_60 = vector.broadcast %mul3A_59 : f32 to vector<768x768xf32>
    %mul3A_61 = arith.mulf %add3A_58, %mul3A_60 : vector<768x768xf32>
    %dot_general3A_62 = arith.constant dense<0.000000e+00> : vector<768x768xf32>
    %dot_general3A_63 = tpu.matmul %mul3A_53, %get3A_23, %dot_general3A_62 {dimension_numbers = #tpu.dot_dimension_numbers<[1], [0], [0], [1], [0, 0, 1, 1], [], []>, precision = #tpu.contract_precision<fp32>, transpose_lhs_hint = false} : vector<768x768xf32>, vector<768x768xf32>, vector<768x768xf32> -> vector<768x768xf32>
    %dot_general3A_64 = arith.constant dense<0.000000e+00> : vector<768x768xf32>
    %dot_general3A_65 = tpu.matmul %mul3A_61, %get3A_26, %dot_general3A_64 {dimension_numbers = #tpu.dot_dimension_numbers<[1], [0], [0], [1], [0, 0, 1, 1], [], []>, precision = #tpu.contract_precision<fp32>, transpose_lhs_hint = false} : vector<768x768xf32>, vector<768x768xf32>, vector<768x768xf32> -> vector<768x768xf32>
    %add3A_66 = arith.addf %dot_general3A_63, %dot_general3A_65 : vector<768x768xf32>
    %swap3A_67 = arith.constant 0 : index
    %swap3A_68 = arith.constant 0 : index
    %swap3A_69 = vector.load %arg4[%swap3A_67, %swap3A_68] : memref<768x768xf32, #tpu.memory_space<vmem>>, vector<768x768xf32>
    tpu.vector_store %arg4[%swap3A_67, %swap3A_68], %add3A_66 {strides = array<i32>} : memref<768x768xf32, #tpu.memory_space<vmem>>, vector<768x768xf32>,
    return
  }
}

</mosaic_0001>

<sc_bundles>
// kernel: kernel.5.cloned.1.call-start
scs
__scs_entry_jumppad:
0x0: {  	(pc) =	sbr.rel $0x88, $3  }
0x1: {  	(tag) =	ssettag $0x0;
	lr =	simm.s32 $0x1  }
0x2: {  	[smem:$0x3F9E] =	sst lr;
	_ =	strace $0xD0000000  }
0x3: {  	_ = 	snop  }
0x4: {  	_ = 	snop  }
0x5: {  	_ = 	snop  }
0x6: {  	_ = 	snop  }
0x7: {  	_ = 	snop  }
__scs_overlays_trampoline_lowered:
0x8: {  	[smem:$0x3FAD] =	sst s0  }
0x9: {  	[smem:$0x3FAE] =	sst s1  }
0xa: {  	[smem:$0x3FAF] =	sst s2  }
0xb: {  	[smem:$0x3FB0] =	sst s3  }
0xc: {  	[smem:$0x3FB1] =	sst s4  }
0xd: {  	[smem:$0x3FB2] =	sst s5  }
0xe: {  	[smem:$0x3FB3] =	sst s6  }
0xf: {  	[smem:$0x3FB4] =	sst s7  }
0x10: {  	[smem:$0x3FB5] =	sst s8  }
0x11: {  	[smem:$0x3FB6] =	sst s9;
	s0 =	simm.s32 @!p0 $0x0  }
0x12: {  	s1 =	sld [smem:$0x3F9C];
	s0 =	simm.s32 @p0 $0x1  }
0x13: {  	[smem:$0x3FB7] =	sst s0;
	s0 =	simm.s32 @!p1 $0x0  }
0x14: {  	s2 =	sld [smem:$0x3F9B];
	s0 =	simm.s32 @p1 $0x1  }
0x15: {  	[smem:$0x3FB8] =	sst s0;
	s0 =	simm.s32 @!p2 $0x0  }
0x16: {  	s3 =	sld [smem:$0x3FDB];
	s0 =	simm.s32 @p2 $0x1  }
0x17: {  	s4 =	simm.s32 $0x1BF5;
	[smem:$0x3FBA] =	sst s0  }
0x18: {  	s0 =	sld [smem:$0x3F9D];
	_ =	swait.ge [sflag:s4], $0x0  }
0x19: {  	s7 =	sld [smem:$0x3F9E]  }
0x1a: {  	s8 =	sadd.s32 $0xFFFFE003, lr  }
0x1b: {  	s9 =	sadd.s32 $0xFFFFFEF7, lr;
	s5 =	simm.s32 $0xFFFFFFFF;
	p2 =	slt.u32 s8, $0xFFFFF086  }
0x1c: {  	p1 =	slt.u32 s9, $0xF7A;
	s5 =	simm.s32 @!p2 $0x0  }
0x1d: {  	s5 =	simm.s32 @p1 $0x1;
	p0 =	seq.s32 s7, s2  }
0x1e: {  	s7 =	smul.u32 @!p0 $0xF7A, s2;
	p2 =	seq.s32 @!p0 s5, $0x0  }
0x1f: {  	s9 =	smul.u32 $0xF7A, s1;
	s8 =	simm.s32 @!p0 $0x1BF5;
	p2 =	por !p2, p0  }
0x20: {  	[sflag:s8] =	ssyncset.s32 @!p0 $0xFFFFF086;
	s6 =	sadd.s32 @!p0 s3, s7;
	s7 =	simm.s32 @!p0 $0x108  }
0x21: {  	s3 =	sadd.s32 s3, s9;
	s6 =	sadd.s32 @!p0 $0x88, s6;
	s7 =	simm.s32 @p2 $0x1082  }
0x22: {  	[simem:s7], [sflag:s8] =	dma.local @!p0 [hbm:s6], $0xF7A  }
0x23: {  	s9 =	sor.u32 $0xD0000000, s2;
	s6 =	simm.s32 $0x108;
	_ =	swait.ge @!p0 [sflag:s8], $0x0  }
0x24: {  	s3 =	sadd.s32 $0x88, s3;
	s6 =	simm.s32 @!p1 $0x1082;
	[sflag:s4] =	ssyncset.s32 $0xFFFFF086  }
0x25: {  	[simem:s6], [sflag:s4] =	dma.local [hbm:s3], $0xF7A  }
0x26: {  	[smem:$0x3F9E] =	sst s1;
	(tag) =	ssettag s2;
	_ =	strace s9  }
0x27: {  	s1 =	sld [smem:$0x3FAE]  }
0x28: {  	s2 =	sld [smem:$0x3FAF]  }
0x29: {  	s4 =	sld [smem:$0x3FB1]  }
0x2a: {  	p0 =	seq.s32 s5, $0x0;
	s5 =	sld [smem:$0x3FB2]  }
0x2b: {  	s6 =	sld [smem:$0x3FB3]  }
0x2c: {  	s7 =	sld [smem:$0x3FB4]  }
0x2d: {  	s3 =	simm.s32 $0x108;
	s8 =	sld [smem:$0x3FB5]  }
0x2e: {  	s3 =	simm.s32 @!p0 $0x1082;
	s9 =	sld [smem:$0x3FB6]  }
0x2f: {  	lr =	sadd.s32 s0, s3;
	s0 =	sld [smem:$0x3FAD]  }
0x30: {  	s3 =	sld [smem:$0x3FB0]  }
0x31: {  	[smem:$0x3FB9] =	sst s10  }
0x32: {  	s10 =	sld [smem:$0x3FB7];
	_ =	sdelay $0x3  }
0x33: {  	p0 =	seq.s32 s10, $0x1;
	s10 =	sld [smem:$0x3FB9];
	_ =	sdelay $0x3  }
0x34: {  	[smem:$0x3FB9] =	sst s10  }
0x35: {  	s10 =	sld [smem:$0x3FB8];
	_ =	sdelay $0x3  }
0x36: {  	p1 =	seq.s32 s10, $0x1;
	s10 =	sld [smem:$0x3FB9];
	_ =	sdelay $0x3  }
0x37: {  	[smem:$0x3FB9] =	sst s10  }
0x38: {  	s10 =	sld [smem:$0x3FBA]  }
0x39: {  	_ = 	snop;
	(pc) =	sbr.ind lr, $3  }
0x3a: {  	_ = 	snop  }
0x3b: {  	_ = 	snop  }
0x3c: {  	p2 =	seq.s32 s10, $0x1;
	s10 =	sld [smem:$0x3FB9]  }
0x3d: {  	_ =	shalt  }
0x3e: {  	_ =	shalt  }
0x3f: {  	_ =	shalt  }
0x40: {  	_ =	shalt  }
0x41: {  	_ =	shalt  }
0x42: {  	_ =	shalt  }
0x43: {  	_ =	shalt  }
0x44: {  	_ =	shalt  }
0x45: {  	_ =	shalt  }
0x46: {  	_ =	shalt  }
0x47: {  	_ =	shalt  }
0x48: {  	_ =	shalt  }
0x49: {  	_ =	shalt  }
0x4a: {  	_ =	shalt  }
0x4b: {  	_ =	shalt  }
0x4c: {  	_ =	shalt  }
0x4d: {  	_ =	shalt  }
0x4e: {  	_ =	shalt  }
0x4f: {  	_ =	shalt  }
0x50: {  	_ =	shalt  }
0x51: {  	_ =	shalt  }
0x52: {  	_ =	shalt  }
0x53: {  	_ =	shalt  }
0x54: {  	_ =	shalt  }
0x55: {  	_ =	shalt  }
0x56: {  	_ =	shalt  }
0x57: {  	_ =	shalt  }
0x58: {  	_ =	shalt  }
0x59: {  	_ =	shalt  }
0x5a: {  	_ =	shalt  }
0x5b: {  	_ =	shalt  }
0x5c: {  	_ =	shalt  }
0x5d: {  	_ =	shalt  }
0x5e: {  	_ =	shalt  }
0x5f: {  	_ =	shalt  }
0x60: {  	_ =	shalt  }
0x61: {  	_ =	shalt  }
0x62: {  	_ =	shalt  }
0x63: {  	_ =	shalt  }
0x64: {  	_ =	shalt  }
0x65: {  	_ =	shalt  }
0x66: {  	_ =	shalt  }
0x67: {  	_ =	shalt  }
0x68: {  	_ =	shalt  }
0x69: {  	_ =	shalt  }
0x6a: {  	_ =	shalt  }
0x6b: {  	_ =	shalt  }
0x6c: {  	_ =	shalt  }
0x6d: {  	_ =	shalt  }
0x6e: {  	_ =	shalt  }
0x6f: {  	_ =	shalt  }
0x70: {  	_ =	shalt  }
0x71: {  	_ =	shalt  }
0x72: {  	_ =	shalt  }
0x73: {  	_ =	shalt  }
0x74: {  	_ =	shalt  }
0x75: {  	_ =	shalt  }
0x76: {  	_ =	shalt  }
0x77: {  	_ =	shalt  }
0x78: {  	_ =	shalt  }
0x79: {  	_ =	shalt  }
0x7a: {  	_ =	shalt  }
0x7b: {  	_ =	shalt  }
0x7c: {  	_ =	shalt  }
0x7d: {  	_ =	shalt  }
0x7e: {  	_ =	shalt  }
0x7f: {  	_ =	shalt  }
0x80: {  	_ =	shalt  }
0x81: {  	_ =	shalt  }
0x82: {  	_ =	shalt  }
0x83: {  	_ =	shalt  }
0x84: {  	_ =	shalt  }
0x85: {  	_ =	shalt  }
0x86: {  	_ =	shalt  }
0x87: {  	_ =	shalt  }
.Lfunc_end0:
.L_simem_size_0:
called_computation_lowered:
.L_overlay_start_0:
0x88: {  	s2 =	sld [smem:$0x3FD9]  }
0x89: {  	s3 =	sld [smem:$0x3FFE];
	_ =	sdelay $0x1  }
0x8a: {  	s1 =	srdreg.scid  }
0x8b: {  	s0 =	sand.u32 $0x1, s1  }
0x8c: {  	s14 =	sshll.u32 s0, $0xA;
	s2 =	sadd.s32 s3, s2  }
0x8d: {  	s2 =	sadd.s32 s2, s14  }
0x8e: {  	[smem:$0x3FC5] =	sst s2  }
0x8f: {  	_ = 	snop  }
0x90: {  	s2 =	sld [smem:$0x3FD0];
	_ =	sdelay $0x2  }
0x91: {  	s15 =	simm.s32 $0xA;
	s4 =	simm.s32 $0x10  }
0x92: {  	[smem:s4], [sflag:s15] =	dma.local [hbm:s2], $0x1  }
0x93: {  	_ =	swait.eq [sflag:s15], $0x1  }
0x94: {  	[sflag:s15] =	ssyncset.done $0x0  }
0x95: {  	[sflag:s15] =	ssyncadd.s32 $0xFFFFFFFF  }
0x96: {  	s16 =	sld [smem:$0x11];
	(tm) =	ssettm $0x1  }
0x97: {  	s17 =	sld [smem:$0x3FFB];
	_ =	sdelay $0x3  }
0x98: {  	_ =	strace s17  }
0x99: {  	s3 =	sld [smem:$0x3FFC];
	_ =	sdelay $0x3  }
0x9a: {  	_ =	strace s3  }
0x9b: {  	s3 =	sld [smem:$0x3FFD];
	_ =	sdelay $0x3  }
0x9c: {  	_ =	strace s3  }
0x9d: {  	_ =	strace $0x8FFFFFFF  }
0x9e: {  	s18 =	sld [smem:$0x3FDB];
	_ =	sdelay $0x1  }
0x9f: {  	s19 =	simm.s32 $_scs_section_size  }
0xa0: {  	s5 =	simm.s32 $_size__tile_overlayer_lowered;
	s6 =	simm.s32 $_tile_overlayer_lowered  }
0xa1: {  	s22 =	simm.s32 $0x1BFF;
	s21 =	sshll.u32 s6, $0x1;
	s3 =	sadd.s32 s19, s18  }
0xa2: {  	s7 =	simm.s32 $0x0;
	s20 =	sshll.u32 s5, $0x1;
	s5 =	sadd.s32 s21, s3  }
0xa3: {  	[timem:s7], [sflag:s22] =	dma.local [hbm:s5], s20  }
0xa4: {  	_ =	swait.ge [sflag:s22], s20  }
0xa5: {  	s4 =	ssub.s32 $0x0, s20;
	[sflag:s22] =	ssyncset.done $0x0  }
0xa6: {  	[sflag:s22] =	ssyncadd.s32 s4;
	_ =	sdelay $0x1  }
0xa7: {  	s23 =	simm.s32 $0x1B8B  }
0xa8: {  	_ =	swait.ge [sflag:s23], $0x1  }
0xa9: {  	[sflag:s23] =	ssyncset.done $0x0  }
0xaa: {  	s25 =	simm.s32 $0x1B8E;
	s24 =	sld [smem:$0x3FFE];
	[sflag:s23] =	ssyncadd.s32 $0xFFFFFFFF  }
0xab: {  	s26 =	simm.s32 $execute0_lowered;
	[smem:$0x3FD2] =	sst s25  }
0xac: {  	s5 =	sshll.u32 s26, $0x1;
	_ =	strace $0x80000046;
	[dreg:$0x1] =	wrdreg $0xFFFFFFFF  }
0xad: {  	s28 =	simm.s32 $_size_execute0_lowered;
	s3 =	sadd.s32 s3, s5;
	[dreg:$0x0] =	wrdreg $0x0  }
0xae: {  	s5 =	sshll.u32 s28, $0x1;
	[dreg:$0x2] =	wrdreg s3  }
0xaf: {  	[dreg:$0x3] =	wrdreg s5  }
0xb0: {  	[dreg:$0x4] =	wrdreg $0xC0  }
0xb1: {  	_ =	task [dreg:s7], $0x5FFFF  }
0xb2: {  	[dreg:$0x1] =	wrdreg $0xFFFFFFFF  }
0xb3: {  	[dreg:$0x0] =	wrdreg $0x60  }
0xb4: {  	[dreg:$0x2] =	wrdreg s24  }
0xb5: {  	[dreg:$0x3] =	wrdreg s16  }
0xb6: {  	[dreg:$0x4] =	wrdreg $0x9  }
0xb7: {  	_ =	task.clear_ibuf [dreg:s7], $0x5FFFF;
	_ =	strace $0x90000046  }
0xb8: {  	s29 =	simm.s32 $0x9;
	_ =	strace $0x80000048  }
0xb9: {  	_ =	swait.ge [sflag:s29], $0x1  }
0xba: {  	[sflag:s29] =	ssyncadd.s32 $0xFFFFFFFF  }
0xbb: {  	_ =	strace $0x90000048  }
0xbc: {  	_ =	sfence  }
0xbd: {  	s30 =	sld [smem:$0x0];
	_ =	sdelay $0x2  }
0xbe: {  	s31 =	sshll.u32 s1, $0xD;
	s1 =	sshrl.u32 s1, $0x2  }
0xbf: {  	s3 =	sand.u32 $0x4000, s31;
	s1 =	sadd.s32 s1, s30  }
0xc0: {  	s0 =	sor.u32 s3, s0;
	s1 =	sshll.u32 s1, $0x11  }
0xc1: {  	s0 =	sor.u32 s1, s0  }
0xc2: {  	s0 =	sadd.s32 $0x8F2B, s0  }
0xc3: {  	[sflag:s0] =	ssyncadd.remote.s32 $0x1  }
0xc4: {  	_ =	sfence.sel $0xFFFF  }
0xc5: {  	[dreg:$0x0] =	wrdreg $0xFFFFFFFF;
	(pc) =	sbr.abs _section_cstart, $3  }
0xc6: {  	[dreg:$0x1] =	wrdreg $0xFFFFFFFF  }
0xc7: {  	_ =	task.clear_ibuf [dreg:s7], $0x2FFFF;
	_ =	strace $0x9FFFFFFF  }
0xc8: {  	(tm) =	ssettm $0x7FFFFFFF  }
0xc9: {  	_ =	shalt  }
tec
execute0_lowered:
.L_overlay_start_1:
0x0: {  	(tag) =	ssettag $0x1  }
0x1: {  	s3 =	rddreg [dreg:$0x0]  }
0x2: {  	s4 =	rddreg [dreg:$0x1];
	s2 =	srdreg.scid  }
0x3: {  	s0 =	rddreg [dreg:$0x2];
	s1 =	stileid.u32  }
0x4: {  	s10 =	simm.s32 $0x40000;
	s11 =	simm.s32 $0x1;
	s12 =	simm.s32 $0x10000  }
0x5: {  	s13 =	simm.s32 $0x10400;
	s14 =	simm.s32 $0x10800;
	s15 =	simm.s32 $0x10C00  }
0x6: {  	s16 =	simm.s32 $0x0;
	s5 =	sand.u32 $0x1, s2;
	s2 =	simm.s32 $0x0  }
0x7: {  	s6 =	sshll.u32 s1, $0xB;
	s7 =	sshll.u32 s5, $0xA;
	[smem:$0x7FF] =	sst s2  }
0x8: {  	s5 =	ssub.s32 $0x2, s5;
	s6 =	sor.u32 s7, s6;
	_ =	strace $0x80000047  }
0x9: {  	s31 =	sshrl.u32 s5, $0x1;
	s7 =	sshrl.u32 s6, $0x3;
	s6 =	sadd.s32 s6, s3  }
0xa: {  	s9 =	ssub.s32 s5, s31;
	s8 =	sadd.s32 s7, s3;
	s3 =	sadd.s32 $0x81800, s6  }
0xb: {  	s4 =	sadd.s32 s4, s7;
	s5 =	sadd.s32 $0xC1800, s8;
	s6 =	sadd.s32 $0xC2800, s8  }
0xc: {  	v0 =	vimm.s32 $0x0;
	s7 =	sadd.s32 $0xC3800, s8;
	s8 =	smax.u32 s9, $0x1;
	s9 =	simm.s32 $0x2000  }
.LBB2_1:
0xd: {  	[tilespmem:s2], [sflag:$0x1] =	stream.strided.gather [hbm4b:s3+s9], $0x10000, s10, s9, $0x38;
	[tilespmem:$0x11000] =	vst v63  }
0xe: {  	s17 =	simm.s32 $0x10C00;
	s18 =	simm.s32 $0x10800;
	_ =	swait.ge [sflag:s11], $0x10000  }
0xf: {  	s19 =	simm.s32 $0x10400;
	s20 =	simm.s32 $0x10000;
	[sflag:s11] =	ssyncset.done $0x0  }
0x10: {  	s21 =	simm.s32 $0x0;
	s22 =	simm.s32 $0x0;
	[sflag:s11] =	ssyncadd.s32 $0xFFFF0000  }
.LBB2_2:
0x11: {  	s23 =	sand.u32 $0x70, s22;
	s24 =	sand.u32 $0x1C00, s21  }
0x12: {  	s23 =	sor.u32 s23, s24  }
0x13: {  	v1 =	vld [tilespmem:s23+$0x0];
	_ =	sdelay $0x1  }
0x14: {  	v2 =	vld [tilespmem:s23+$0x80];
	_ =	sdelay $0x1  }
0x15: {  	v3 =	vld [tilespmem:s23+$0x100]  }
0x16: {  	vm0 =	vgt.f32 v1, $-Inf  }
0x17: {  	v1 =	vnsel vm0, $0xFF800000, v1  }
0x18: {  	v10 =	vimm.s32 $0x0;
	v5 =	vld [tilespmem:s23+$0x180];
	vm0 =	vgt.f32 v2, v1  }
0x19: {  	v4 =	vsel vm0, v1, v2;
	vm3 =	vmneg vm0;
	v1 =	vsel vm0, v2, v1  }
0x1a: {  	vm1 =	vlt.f32 v4, $-Inf;
	vm2 =	vgt.f32 v4, $-Inf;
	vm10 =	vgt.f32 v3, v1  }
0x1b: {  	v7 =	vld [tilespmem:s23+$0x200];
	v2 =	vsel vm0, $0x1, v0;
	vm1 =	vmor vm2, vm1;
	v8 =	vsel vm10, v3, v1  }
0x1c: {  	v9 =	vsel vm10, $0x2, v2;
	v1 =	vsel vm10, v1, v3;
	v2 =	vnsel vm10, $0x2, v2  }
0x1d: {  	vm9 =	vmand vm1, vm3;
	v4 =	vnsel vm1, $0xFF800000, v4;
	vm12 =	vgt.f32 v5, v8  }
0x1e: {  	v57 =	vld [tilespmem:s23+$0x280];
	v6 =	vsel vm9, $0x1, v0;
	vm11 =	vgt.f32 v1, v4;
	v3 =	vsel vm12, v8, v5  }
0x1f: {  	v5 =	vsel vm12, v5, v8;
	v58 =	vsel vm12, $0x3, v9;
	v1 =	vsel vm11, v1, v4  }
0x20: {  	v59 =	vnsel vm12, $0x3, v9;
	vm14 =	vgt.f32 v7, v5;
	vm13 =	vgt.f32 v3, v1  }
0x21: {  	v2 =	vsel vm11, v2, v6;
	v60 =	vsel vm14, v7, v5;
	v1 =	vsel vm13, v3, v1;
	v3 =	vld [tilespmem:s23+$0x300]  }
0x22: {  	v5 =	vsel vm14, v5, v7;
	v61 =	vsel vm14, $0x4, v58;
	v6 =	vnsel vm14, $0x4, v58  }
0x23: {  	v2 =	vsel vm13, v59, v2;
	vm4 =	vgt.f32 v57, v60;
	vm15 =	vgt.f32 v5, v1  }
0x24: {  	v62 =	vld [tilespmem:s23+$0x380];
	v63 =	vsel vm4, v57, v60;
	v4 =	vsel vm4, v60, v57;
	v1 =	vsel vm15, v5, v1  }
0x25: {  	v12 =	vsel vm4, $0x5, v61;
	v7 =	vnsel vm4, $0x5, v61;
	vm5 =	vgt.f32 v4, v1  }
0x26: {  	v14 =	vld [tilespmem:s23+$0x2000];
	v2 =	vsel vm15, v6, v2;
	v1 =	vsel vm5, v4, v1;
	vm6 =	vgt.f32 v3, v63  }
0x27: {  	v2 =	vsel vm5, v7, v2;
	v13 =	vsel vm6, v63, v3;
	v3 =	vsel vm6, v3, v63  }
0x28: {  	v15 =	vsel vm6, $0x6, v12;
	v16 =	vnsel vm6, $0x6, v12;
	vm7 =	vgt.f32 v13, v1  }
0x29: {  	v17 =	vld [tilespmem:s23+$0x2080];
	vm8 =	vgt.f32 v62, v3;
	v1 =	vsel vm7, v13, v1;
	v2 =	vsel vm7, v16, v2  }
0x2a: {  	v18 =	vsel vm8, v62, v3;
	v3 =	vsel vm8, v3, v62;
	v19 =	vsel vm8, $0x7, v15  }
0x2b: {  	v6 =	vnsel vm8, $0x7, v15;
	vm9 =	vgt.f32 v3, v1;
	vm10 =	vgt.f32 v14, v18  }
0x2c: {  	v1 =	vsel vm9, v3, v1;
	v2 =	vsel vm9, v6, v2;
	v3 =	vld [tilespmem:s23+$0x2100];
	v7 =	vsel vm10, v18, v14  }
0x2d: {  	v20 =	vsel vm10, v14, v18;
	v21 =	vsel vm10, $0x8, v19;
	vm11 =	vgt.f32 v7, v1  }
0x2e: {  	v23 =	vld [tilespmem:s23+$0x2180];
	v5 =	vnsel vm10, $0x8, v19;
	vm12 =	vgt.f32 v17, v20;
	v1 =	vsel vm11, v7, v1  }
0x2f: {  	v2 =	vsel vm11, v5, v2;
	v22 =	vsel vm12, v20, v17;
	v4 =	vsel vm12, v17, v20  }
0x30: {  	v24 =	vsel vm12, $0x9, v21;
	v25 =	vnsel vm12, $0x9, v21;
	vm13 =	vgt.f32 v22, v1  }
0x31: {  	v26 =	vld [tilespmem:s23+$0x2200];
	v1 =	vsel vm13, v22, v1;
	v2 =	vsel vm13, v25, v2;
	vm14 =	vgt.f32 v3, v4  }
0x32: {  	v27 =	vsel vm14, v3, v4;
	v3 =	vsel vm14, v4, v3;
	v28 =	vsel vm14, $0xA, v24  }
0x33: {  	v6 =	vnsel vm14, $0xA, v24;
	vm15 =	vgt.f32 v3, v1;
	vm4 =	vgt.f32 v23, v27  }
0x34: {  	v1 =	vsel vm15, v3, v1;
	v2 =	vsel vm15, v6, v2;
	v3 =	vld [tilespmem:s23+$0x2280];
	v7 =	vsel vm4, v27, v23  }
0x35: {  	v29 =	vsel vm4, v23, v27;
	v30 =	vsel vm4, $0xB, v28;
	vm5 =	vgt.f32 v7, v1  }
0x36: {  	v4 =	vnsel vm4, $0xB, v28;
	vm6 =	vgt.f32 v26, v29;
	v1 =	vsel vm5, v7, v1  }
0x37: {  	v32 =	vld [tilespmem:s23+$0x2300];
	v2 =	vsel vm5, v4, v2;
	v31 =	vsel vm6, v29, v26;
	v5 =	vsel vm6, v26, v29  }
0x38: {  	v33 =	vsel vm6, $0xC, v30;
	v34 =	vnsel vm6, $0xC, v30;
	vm7 =	vgt.f32 v31, v1  }
0x39: {  	v1 =	vsel vm7, v31, v1;
	v2 =	vsel vm7, v34, v2;
	vm8 =	vgt.f32 v3, v5  }
0x3a: {  	v35 =	vld [tilespmem:s23+$0x2380];
	v31 =	vimm.s32 $0x0;
	v34 =	vimm.s32 $0x0;
	v36 =	vsel vm8, v3, v5  }
0x3b: {  	v3 =	vsel vm8, v5, v3;
	v37 =	vsel vm8, $0xD, v33;
	v6 =	vnsel vm8, $0xD, v33  }
0x3c: {  	v33 =	vimm.s32 $0x0;
	vm9 =	vgt.f32 v3, v1;
	vm10 =	vgt.f32 v32, v36  }
0x3d: {  	v1 =	vsel vm9, v3, v1;
	v2 =	vsel vm9, v6, v2;
	v3 =	vld [tilespmem:s23+$0x4000];
	v7 =	vsel vm10, v36, v32  }
0x3e: {  	v38 =	vsel vm10, v32, v36;
	v39 =	vsel vm10, $0xE, v37;
	vm11 =	vgt.f32 v7, v1  }
0x3f: {  	v5 =	vnsel vm10, $0xE, v37;
	vm12 =	vgt.f32 v35, v38;
	v1 =	vsel vm11, v7, v1  }
0x40: {  	v41 =	vld [tilespmem:s23+$0x4080];
	v2 =	vsel vm11, v5, v2;
	v40 =	vsel vm12, v38, v35;
	v4 =	vsel vm12, v35, v38  }
0x41: {  	v42 =	vsel vm12, $0xF, v39;
	v43 =	vnsel vm12, $0xF, v39;
	v38 =	vimm.s32 $0x0  }
0x42: {  	v39 =	vimm.s32 $0x0;
	vm13 =	vgt.f32 v40, v1;
	vm14 =	vgt.f32 v3, v4  }
0x43: {  	v1 =	vsel vm13, v40, v1;
	v2 =	vsel vm13, v43, v2;
	v45 =	vsel vm14, v3, v4  }
0x44: {  	v44 =	vld [tilespmem:s23+$0x4100];
	v3 =	vsel vm14, v4, v3;
	v46 =	vsel vm14, $0x10, v42;
	v6 =	vnsel vm14, $0x10, v42  }
0x45: {  	v42 =	vimm.s32 $0x0;
	vm15 =	vgt.f32 v3, v1;
	vm4 =	vgt.f32 v41, v45  }
0x46: {  	v1 =	vsel vm15, v3, v1;
	v2 =	vsel vm15, v6, v2;
	v47 =	vsel vm4, v41, v45  }
0x47: {  	v3 =	vld [tilespmem:s23+$0x4180];
	v48 =	vsel vm4, $0x11, v46;
	v7 =	vsel vm4, v45, v41;
	v4 =	vnsel vm4, $0x11, v46  }
0x48: {  	v41 =	vimm.s32 $0x0;
	v45 =	vimm.s32 $0x0;
	vm5 =	vgt.f32 v7, v1  }
0x49: {  	v46 =	vimm.s32 $0x0;
	vm6 =	vgt.f32 v44, v47;
	v1 =	vsel vm5, v7, v1  }
0x4a: {  	v50 =	vld [tilespmem:s23+$0x4200];
	v2 =	vsel vm5, v4, v2;
	v49 =	vsel vm6, v47, v44;
	v5 =	vsel vm6, v44, v47  }
0x4b: {  	v51 =	vsel vm6, $0x12, v48;
	v52 =	vnsel vm6, $0x12, v48;
	vm7 =	vgt.f32 v49, v1  }
0x4c: {  	v1 =	vsel vm7, v49, v1;
	v2 =	vsel vm7, v52, v2;
	vm8 =	vgt.f32 v3, v5  }
0x4d: {  	v53 =	vld [tilespmem:s23+$0x4280];
	v49 =	vimm.s32 $0x0;
	v54 =	vsel vm8, v3, v5;
	v3 =	vsel vm8, v5, v3  }
0x4e: {  	v55 =	vsel vm8, $0x13, v51;
	v6 =	vnsel vm8, $0x13, v51;
	vm9 =	vgt.f32 v3, v1  }
0x4f: {  	vm10 =	vgt.f32 v50, v54;
	v1 =	vsel vm9, v3, v1;
	v2 =	vsel vm9, v6, v2  }
0x50: {  	v56 =	vsel vm10, v50, v54;
	v57 =	vsel vm10, $0x14, v55;
	v7 =	vsel vm10, v54, v50  }
0x51: {  	v3 =	vld [tilespmem:s23+$0x4300];
	v5 =	vnsel vm10, $0x14, v55;
	v50 =	vimm.s32 $0x0;
	vm11 =	vgt.f32 v7, v1  }
0x52: {  	v54 =	vimm.s32 $0x0;
	vm12 =	vgt.f32 v53, v56;
	v1 =	vsel vm11, v7, v1  }
0x53: {  	v58 =	vld [tilespmem:s23+$0x4380];
	v2 =	vsel vm11, v5, v2;
	v59 =	vsel vm12, v56, v53;
	v4 =	vsel vm12, v53, v56  }
0x54: {  	v60 =	vsel vm12, $0x15, v57;
	v9 =	vnsel vm12, $0x15, v57;
	v53 =	vimm.s32 $0x0  }
0x55: {  	v56 =	vimm.s32 $0x0;
	v57 =	vimm.s32 $0x0;
	vm13 =	vgt.f32 v59, v1  }
0x56: {  	v61 =	vld [tilespmem:s23+$0x6000];
	v1 =	vsel vm13, v59, v1;
	v2 =	vsel vm13, v9, v2;
	vm14 =	vgt.f32 v3, v4  }
0x57: {  	v62 =	vsel vm14, v3, v4;
	v3 =	vsel vm14, v4, v3;
	v12 =	vsel vm14, $0x16, v60  }
0x58: {  	v6 =	vnsel vm14, $0x16, v60;
	vm15 =	vgt.f32 v3, v1;
	vm6 =	vgt.f32 v58, v62  }
0x59: {  	v1 =	vsel vm15, v3, v1;
	v3 =	vsel vm6, v58, v62;
	v5 =	vsel vm6, v62, v58  }
0x5a: {  	v63 =	vld [tilespmem:s23+$0x6080];
	v2 =	vsel vm15, v6, v2;
	v17 =	vsel vm6, $0x17, v12;
	v9 =	vnsel vm6, $0x17, v12  }
0x5b: {  	v62 =	vimm.s32 $0x0;
	vm7 =	vgt.f32 v5, v1;
	vm1 =	vgt.f32 v61, v3  }
0x5c: {  	v13 =	vld [tilespmem:s23+$0x6100];
	v12 =	vimm.s32 $0x0;
	v1 =	vsel vm7, v5, v1;
	v14 =	vsel vm1, v61, v3  }
0x5d: {  	v3 =	vsel vm1, v3, v61;
	v2 =	vsel vm7, v9, v2;
	v23 =	vsel vm1, $0x18, v17  }
0x5e: {  	v6 =	vnsel vm1, $0x18, v17;
	v61 =	vimm.s32 $0x0;
	vm0 =	vgt.f32 v3, v1  }
0x5f: {  	v17 =	vimm.s32 $0x0;
	vm12 =	vgt.f32 v63, v14;
	v1 =	vsel vm0, v3, v1  }
0x60: {  	v15 =	vld [tilespmem:s23+$0x6180];
	v3 =	vsel vm12, v63, v14;
	v4 =	vsel vm12, v14, v63;
	v2 =	vsel vm0, v6, v2  }
0x61: {  	v28 =	vsel vm12, $0x19, v23;
	vm13 =	vgt.f32 v4, v1;
	vm11 =	vgt.f32 v13, v3  }
0x62: {  	v16 =	vld [tilespmem:s23+$0x6200];
	v9 =	vnsel vm12, $0x19, v23;
	v1 =	vsel vm13, v4, v1;
	v18 =	vsel vm11, v13, v3  }
0x63: {  	v3 =	vsel vm11, v3, v13;
	v2 =	vsel vm13, v9, v2;
	v37 =	vsel vm11, $0x1A, v28  }
0x64: {  	v19 =	vld [tilespmem:s23+$0x6280];
	v6 =	vnsel vm11, $0x1A, v28;
	v13 =	vimm.s32 $0x0;
	vm10 =	vgt.f32 v3, v1  }
0x65: {  	v28 =	vimm.s32 $0x0;
	vm9 =	vgt.f32 v15, v18;
	v1 =	vsel vm10, v3, v1  }
0x66: {  	v20 =	vld [tilespmem:s23+$0x6300];
	v3 =	vsel vm9, v15, v18;
	v4 =	vsel vm9, v18, v15;
	v2 =	vsel vm10, v6, v2  }
0x67: {  	v48 =	vsel vm9, $0x1B, v37;
	vm8 =	vgt.f32 v4, v1;
	vm7 =	vgt.f32 v16, v3  }
0x68: {  	v22 =	vld [tilespmem:s23+$0x6380];
	v1 =	vsel vm8, v4, v1;
	v21 =	vsel vm7, v16, v3;
	v3 =	vsel vm7, v3, v16  }
0x69: {  	v60 =	vsel vm7, $0x1C, v48;
	vm5 =	vgt.f32 v3, v1;
	vm4 =	vgt.f32 v19, v21  }
0x6a: {  	v1 =	vsel vm5, v3, v1;
	v3 =	vsel vm4, v19, v21;
	v4 =	vsel vm4, v21, v19  }
0x6b: {  	v24 =	vld [tilespmem:s23+$0x8000];
	v16 =	vimm.s32 $0x0;
	vm3 =	vgt.f32 v4, v1;
	vm2 =	vgt.f32 v20, v3  }
0x6c: {  	v1 =	vsel vm3, v4, v1;
	v25 =	vsel vm2, v20, v3;
	v3 =	vsel vm2, v3, v20  }
0x6d: {  	v26 =	vld [tilespmem:s23+$0x8080];
	v19 =	vsel vm4, $0x1D, v60;
	vm1 =	vgt.f32 v3, v1;
	vm0 =	vgt.f32 v22, v25  }
0x6e: {  	v21 =	vimm.s32 $0x0;
	v1 =	vsel vm1, v3, v1;
	v4 =	vsel vm0, v25, v22  }
0x6f: {  	v20 =	vimm.s32 $0x0;
	v3 =	vsel vm0, v22, v25;
	vm14 =	vgt.f32 v4, v1  }
0x70: {  	v27 =	vld [tilespmem:s23+$0x8100];
	v25 =	vimm.s32 $0x0;
	vm6 =	vgt.f32 v24, v3;
	v10 =	vsel vm14, $0xFFFFFFFF, v10  }
0x71: {  	v1 =	vsel vm14, v4, v1;
	v29 =	vsel vm6, v24, v3;
	v3 =	vsel vm6, v3, v24  }
0x72: {  	v24 =	vimm.s32 $0x0;
	vm14 =	vgt.f32 v3, v1;
	vm12 =	vgt.f32 v26, v29  }
0x73: {  	v30 =	vld [tilespmem:s23+$0x8180];
	[tilespmem:$0x1FD00] =	vst v10;
	v10 =	vsel vm14, $0xFFFFFFFF, v31;
	v1 =	vsel vm14, v3, v1;
	v4 =	vsel vm12, v29, v26  }
0x74: {  	v3 =	vsel vm12, v26, v29;
	v31 =	vsel vm2, $0x1E, v19;
	vm14 =	vgt.f32 v4, v1  }
0x75: {  	vm13 =	vgt.f32 v27, v3;
	v9 =	vsel vm14, $0xFFFFFFFF, v33;
	v1 =	vsel vm14, v4, v1  }
0x76: {  	v32 =	vld [tilespmem:s23+$0x8200];
	v35 =	vsel vm13, v27, v3;
	v3 =	vsel vm13, v3, v27;
	v27 =	vimm.s32 $0x0  }
0x77: {  	v33 =	vimm.s32 $0x0;
	[tilespmem:$0x1FD20] =	vst v9;
	v9 =	vsel vm13, $0xFFFFFFFF, v34;
	vm14 =	vgt.f32 v3, v1  }
0x78: {  	[tilespmem:$0x1FD10] =	vst v10;
	vm13 =	vgt.f32 v30, v35;
	v10 =	vsel vm14, $0xFFFFFFFF, v38;
	v1 =	vsel vm14, v3, v1  }
0x79: {  	v36 =	vld [tilespmem:s23+$0x8280];
	[tilespmem:$0x1FD30] =	vst v9;
	v3 =	vsel vm13, v30, v35;
	v4 =	vsel vm13, v35, v30;
	v9 =	vnsel vm9, $0x1B, v37  }
0x7a: {  	v35 =	vimm.s32 $0x0;
	[tilespmem:$0x1FD40] =	vst v10;
	v10 =	vsel vm13, $0xFFFFFFFF, v39;
	vm13 =	vgt.f32 v4, v1  }
0x7b: {  	vm15 =	vgt.f32 v32, v3;
	v2 =	vsel vm8, v9, v2;
	v39 =	vimm.s32 $0x0  }
0x7c: {  	[tilespmem:$0x1FD50] =	vst v10;
	v10 =	vsel vm13, $0xFFFFFFFF, v41;
	v1 =	vsel vm13, v4, v1;
	v43 =	vsel vm15, v32, v3  }
0x7d: {  	v40 =	vld [tilespmem:s23+$0x8300];
	v3 =	vsel vm15, v3, v32;
	v32 =	vimm.s32 $0x0;
	v41 =	vsel vm0, $0x1F, v31  }
0x7e: {  	[tilespmem:$0x1FD60] =	vst v10;
	v10 =	vsel vm15, $0xFFFFFFFF, v42;
	vm11 =	vgt.f32 v3, v1;
	vm14 =	vgt.f32 v36, v43  }
0x7f: {  	v42 =	vimm.s32 $0x0;
	v6 =	vsel vm11, $0xFFFFFFFF, v45;
	v1 =	vsel vm11, v3, v1  }
0x80: {  	v44 =	vld [tilespmem:s23+$0x8380];
	v3 =	vsel vm14, v36, v43;
	v4 =	vsel vm14, v43, v36;
	v36 =	vimm.s32 $0x0  }
0x81: {  	v45 =	vimm.s32 $0x0;
	[tilespmem:$0x1FD80] =	vst v6;
	v6 =	vsel vm14, $0xFFFFFFFF, v46;
	vm11 =	vgt.f32 v4, v1  }
0x82: {  	[tilespmem:$0x1FD70] =	vst v10;
	vm15 =	vgt.f32 v40, v3;
	v10 =	vsel vm11, $0xFFFFFFFF, v49;
	v1 =	vsel vm11, v4, v1  }
0x83: {  	v47 =	vld [tilespmem:s23+$0xA000];
	[tilespmem:$0x1FD90] =	vst v6;
	v51 =	vsel vm15, v40, v3;
	v3 =	vsel vm15, v3, v40;
	v6 =	vnsel vm7, $0x1C, v48  }
0x84: {  	v48 =	vimm.s32 $0x0;
	[tilespmem:$0x1FDA0] =	vst v10;
	v10 =	vsel vm15, $0xFFFFFFFF, v50;
	vm10 =	vgt.f32 v3, v1  }
0x85: {  	v52 =	vld [tilespmem:s23+$0xA080];
	vm13 =	vgt.f32 v44, v51;
	v2 =	vsel vm5, v6, v2;
	[tilespmem:$0x1FDB0] =	vst v10;
	v10 =	vsel vm10, $0xFFFFFFFF, v53  }
0x86: {  	v1 =	vsel vm10, v3, v1;
	v3 =	vsel vm13, v44, v51;
	v4 =	vsel vm13, v51, v44  }
0x87: {  	v51 =	vsel vm6, $0x20, v41;
	[tilespmem:$0x1FDC0] =	vst v10;
	v10 =	vsel vm13, $0xFFFFFFFF, v54;
	vm9 =	vgt.f32 v4, v1  }
0x88: {  	vm14 =	vgt.f32 v47, v3;
	v54 =	vimm.s32 $0x0;
	v9 =	vsel vm9, $0xFFFFFFFF, v56  }
0x89: {  	v55 =	vld [tilespmem:s23+$0xA100];
	v1 =	vsel vm9, v4, v1;
	v58 =	vsel vm14, v47, v3;
	v3 =	vsel vm14, v3, v47  }
0x8a: {  	[tilespmem:$0x1FDE0] =	vst v9;
	v9 =	vsel vm14, $0xFFFFFFFF, v57;
	vm9 =	vgt.f32 v3, v1;
	vm15 =	vgt.f32 v52, v58  }
0x8b: {  	[tilespmem:$0x1FDD0] =	vst v10;
	v10 =	vsel vm9, $0xFFFFFFFF, v61;
	v1 =	vsel vm9, v3, v1;
	v3 =	vsel vm15, v52, v58  }
0x8c: {  	v59 =	vld [tilespmem:s23+$0xA180];
	[tilespmem:$0x1FDF0] =	vst v9;
	v4 =	vsel vm15, v58, v52;
	v9 =	vnsel vm4, $0x1D, v60;
	v52 =	vimm.s32 $0x0  }
0x8d: {  	v58 =	vimm.s32 $0x0;
	v60 =	vsel vm12, $0x21, v51;
	v61 =	vimm.s32 $0x0  }
0x8e: {  	[tilespmem:$0x1FE00] =	vst v10;
	v10 =	vsel vm15, $0xFFFFFFFF, v62;
	vm8 =	vgt.f32 v4, v1;
	vm10 =	vgt.f32 v55, v3  }
0x8f: {  	v63 =	vld [tilespmem:s23+$0xA200];
	v2 =	vsel vm3, v9, v2;
	[tilespmem:$0x1FE10] =	vst v10;
	v10 =	vsel vm8, $0xFFFFFFFF, v12;
	v1 =	vsel vm8, v4, v1  }
0x90: {  	v14 =	vsel vm10, v55, v3;
	v3 =	vsel vm10, v3, v55;
	v12 =	vimm.s32 $0x0  }
0x91: {  	v15 =	vld [tilespmem:s23+$0xA280];
	[tilespmem:$0x1FE20] =	vst v10;
	v10 =	vsel vm10, $0xFFFFFFFF, v13;
	vm7 =	vgt.f32 v3, v1;
	vm11 =	vgt.f32 v59, v14  }
0x92: {  	v47 =	vld [tilespmem:$0x1FD00];
	v6 =	vsel vm7, $0xFFFFFFFF, v16;
	v1 =	vsel vm7, v3, v1;
	v4 =	vsel vm11, v14, v59  }
0x93: {  	v3 =	vsel vm11, v59, v14;
	[tilespmem:$0x1FE40] =	vst v6;
	v6 =	vsel vm11, $0xFFFFFFFF, v17;
	vm7 =	vgt.f32 v4, v1  }
0x94: {  	v57 =	vld [tilespmem:$0x1FD10];
	[tilespmem:$0x1FE30] =	vst v10;
	vm13 =	vgt.f32 v63, v3;
	v10 =	vsel vm7, $0xFFFFFFFF, v20;
	v1 =	vsel vm7, v4, v1  }
0x95: {  	[tilespmem:$0x1FE50] =	vst v6;
	v22 =	vsel vm13, v63, v3;
	v3 =	vsel vm13, v3, v63;
	v6 =	vnsel vm2, $0x1E, v19  }
0x96: {  	v18 =	vld [tilespmem:s23+$0xA300];
	v19 =	vimm.s32 $0x0;
	[tilespmem:$0x1FE60] =	vst v10;
	v10 =	vsel vm13, $0xFFFFFFFF, v21;
	vm5 =	vgt.f32 v3, v1  }
0x97: {  	vm14 =	vgt.f32 v15, v22;
	v2 =	vsel vm1, v6, v2;
	vm13 =	vnez.u8 v47  }
0x98: {  	v23 =	vld [tilespmem:s23+$0xA380];
	v21 =	vimm.s32 $0x0;
	[tilespmem:$0x1FE70] =	vst v10;
	v10 =	vsel vm5, $0xFFFFFFFF, v24;
	v1 =	vsel vm5, v3, v1  }
0x99: {  	v3 =	vsel vm14, v15, v22;
	v4 =	vsel vm14, v22, v15;
	vm5 =	vnez.u8 v57  }
0x9a: {  	v15 =	vimm.s32 $0x0;
	[tilespmem:$0x1FE80] =	vst v10;
	v10 =	vsel vm14, $0xFFFFFFFF, v25;
	vm4 =	vgt.f32 v4, v1  }
0x9b: {  	v26 =	vld [tilespmem:s23+$0xC000];
	vm15 =	vgt.f32 v18, v3;
	v25 =	vimm.s32 $0x0;
	v9 =	vsel vm4, $0xFFFFFFFF, v27  }
0x9c: {  	v1 =	vsel vm4, v4, v1;
	v29 =	vsel vm15, v18, v3;
	v3 =	vsel vm15, v3, v18  }
0x9d: {  	[tilespmem:$0x1FEA0] =	vst v9;
	v9 =	vsel vm15, $0xFFFFFFFF, v28;
	vm4 =	vgt.f32 v3, v1;
	vm7 =	vgt.f32 v23, v29  }
0x9e: {  	v30 =	vld [tilespmem:s23+$0xC080];
	[tilespmem:$0x1FE90] =	vst v10;
	v28 =	vimm.s32 $0x0;
	v10 =	vsel vm4, $0xFFFFFFFF, v32;
	v1 =	vsel vm4, v3, v1  }
0x9f: {  	v14 =	vld [tilespmem:$0x1FD20];
	[tilespmem:$0x1FEB0] =	vst v9;
	v3 =	vsel vm7, v23, v29;
	v4 =	vsel vm7, v29, v23;
	v9 =	vnsel vm0, $0x1F, v31  }
0xa0: {  	[tilespmem:$0x1FEC0] =	vst v10;
	v10 =	vsel vm7, $0xFFFFFFFF, v33;
	vm3 =	vgt.f32 v4, v1;
	vm8 =	vgt.f32 v26, v3  }
0xa1: {  	v34 =	vld [tilespmem:s23+$0xC100];
	v1 =	vsel vm3, v4, v1;
	v37 =	vsel vm8, v26, v3;
	v3 =	vsel vm8, v3, v26  }
0xa2: {  	v2 =	vsel vm13, v9, v2;
	[tilespmem:$0x1FED0] =	vst v10;
	v10 =	vsel vm3, $0xFFFFFFFF, v35;
	vm9 =	vgt.f32 v3, v1  }
0xa3: {  	v38 =	vld [tilespmem:s23+$0xC180];
	vm10 =	vgt.f32 v30, v37;
	v1 =	vsel vm9, v3, v1;
	v3 =	vimm.s32 $0x0  }
0xa4: {  	vm7 =	vnez.u8 v14;
	[tilespmem:$0x1FEE0] =	vst v10;
	v10 =	vsel vm8, $0xFFFFFFFF, v36;
	v3 =	vsel vm10, $0xFFFFFFFF, v3  }
0xa5: {  	v6 =	vsel vm9, $0xFFFFFFFF, v39;
	v4 =	vsel vm10, v37, v30;
	[tilespmem:$0x1FF10] =	vst v3;
	v3 =	vsel vm10, v30, v37  }
0xa6: {  	v40 =	vld [tilespmem:s23+$0xC200];
	[tilespmem:$0x1FF00] =	vst v6;
	vm1 =	vgt.f32 v4, v1;
	v6 =	vnsel vm6, $0x20, v41;
	vm15 =	vgt.f32 v34, v3  }
0xa7: {  	v23 =	vld [tilespmem:$0x1FD40];
	v1 =	vsel vm1, v4, v1;
	v43 =	vsel vm15, v34, v3;
	v3 =	vsel vm15, v3, v34  }
0xa8: {  	v44 =	vld [tilespmem:s23+$0xC280];
	[tilespmem:$0x1FEF0] =	vst v10;
	v10 =	vsel vm1, $0xFFFFFFFF, v42;
	vm11 =	vgt.f32 v3, v1;
	vm14 =	vgt.f32 v38, v43  }
0xa9: {  	v2 =	vsel vm5, v6, v2;
	v1 =	vsel vm11, v3, v1;
	v4 =	vsel vm14, v43, v38  }
0xaa: {  	v46 =	vld [tilespmem:s23+$0xC300];
	[tilespmem:$0x1FF20] =	vst v10;
	v10 =	vsel vm11, $0xFFFFFFFF, v45;
	v3 =	vsel vm14, v38, v43;
	vm4 =	vgt.f32 v4, v1  }
0xab: {  	vm13 =	vgt.f32 v40, v3;
	v9 =	vsel vm4, $0xFFFFFFFF, v48;
	v1 =	vsel vm4, v4, v1  }
0xac: {  	v50 =	vld [tilespmem:s23+$0xC380];
	v49 =	vsel vm13, v40, v3;
	v3 =	vsel vm13, v3, v40;
	vm4 =	vnez.u8 v23  }
0xad: {  	[tilespmem:$0x1FF40] =	vst v9;
	vm0 =	vgt.f32 v3, v1;
	vm11 =	vgt.f32 v44, v49;
	v9 =	vnsel vm12, $0x21, v51  }
0xae: {  	v53 =	vld [tilespmem:s23+$0xE000];
	v1 =	vsel vm0, v3, v1;
	v3 =	vsel vm11, v44, v49;
	v4 =	vsel vm11, v49, v44  }
0xaf: {  	[tilespmem:$0x1FF30] =	vst v10;
	v10 =	vsel vm0, $0xFFFFFFFF, v52;
	vm0 =	vgt.f32 v4, v1;
	vm10 =	vgt.f32 v46, v3  }
0xb0: {  	v56 =	vld [tilespmem:s23+$0xE080];
	v1 =	vsel vm0, v4, v1;
	v55 =	vsel vm10, v46, v3;
	v3 =	vsel vm10, v3, v46  }
0xb1: {  	v2 =	vsel vm7, v9, v2;
	vm6 =	vgt.f32 v3, v1;
	vm9 =	vgt.f32 v50, v55  }
0xb2: {  	v1 =	vsel vm6, v3, v1;
	v3 =	vsel vm9, v50, v55;
	v4 =	vsel vm9, v55, v50  }
0xb3: {  	v59 =	vld [tilespmem:s23+$0xE100];
	[tilespmem:$0x1FF50] =	vst v10;
	v10 =	vsel vm0, $0xFFFFFFFF, v54;
	vm0 =	vgt.f32 v4, v1;
	vm8 =	vgt.f32 v53, v3  }
0xb4: {  	v18 =	vld [tilespmem:$0x1FD30];
	v1 =	vsel vm0, v4, v1;
	v62 =	vsel vm8, v53, v3;
	v3 =	vsel vm8, v3, v53  }
0xb5: {  	v63 =	vld [tilespmem:s23+$0xE180];
	[tilespmem:$0x1FF60] =	vst v10;
	v10 =	vsel vm0, $0xFFFFFFFF, v61;
	vm0 =	vgt.f32 v3, v1;
	vm12 =	vgt.f32 v56, v62  }
0xb6: {  	v6 =	vsel vm6, $0xFFFFFFFF, v58;
	v1 =	vsel vm0, v3, v1;
	v4 =	vsel vm12, v62, v56  }
0xb7: {  	[tilespmem:$0x1FF80] =	vst v10;
	v10 =	vsel vm0, $0xFFFFFFFF, v12;
	v3 =	vsel vm12, v56, v62;
	vm0 =	vgt.f32 v4, v1  }
0xb8: {  	v13 =	vld [tilespmem:s23+$0xE200];
	vm7 =	vgt.f32 v59, v3;
	v9 =	vsel vm0, $0xFFFFFFFF, v15;
	v1 =	vsel vm0, v4, v1  }
0xb9: {  	v17 =	vld [tilespmem:s23+$0xE280];
	v16 =	vsel vm7, v59, v3;
	v3 =	vsel vm7, v3, v59;
	vm0 =	vnez.u8 v18  }
0xba: {  	v26 =	vld [tilespmem:$0x1FD50];
	[tilespmem:$0x1FFA0] =	vst v9;
	v9 =	vsel vm0, $0x22, v60;
	vm1 =	vgt.f32 v3, v1;
	vm6 =	vgt.f32 v63, v16  }
0xbb: {  	[tilespmem:$0x1FF70] =	vst v6;
	v6 =	vnsel vm0, $0x22, v60;
	v1 =	vsel vm1, v3, v1;
	v4 =	vsel vm6, v16, v63  }
0xbc: {  	v27 =	vld [tilespmem:$0x1FD60];
	[tilespmem:$0x1FF90] =	vst v10;
	v10 =	vsel vm1, $0xFFFFFFFF, v19;
	v3 =	vsel vm6, v63, v16;
	vm0 =	vgt.f32 v4, v1  }
0xbd: {  	v20 =	vld [tilespmem:s23+$0xE300];
	v2 =	vsel vm4, v6, v2;
	[tilespmem:$0x1FFB0] =	vst v10;
	vm5 =	vgt.f32 v13, v3;
	v10 =	vsel vm0, $0xFFFFFFFF, v21  }
0xbe: {  	v1 =	vsel vm0, v4, v1;
	v22 =	vsel vm5, v13, v3;
	v3 =	vsel vm5, v3, v13  }
0xbf: {  	v24 =	vld [tilespmem:s23+$0xE380];
	vm0 =	vnez.u8 v26;
	vm1 =	vgt.f32 v3, v1;
	vm4 =	vgt.f32 v17, v22  }
0xc0: {  	v7 =	vsel vm1, $0xFFFFFFFF, v25;
	v1 =	vsel vm1, v3, v1;
	v3 =	vsel vm4, v22, v17  }
0xc1: {  	vm1 =	vnez.u8 v27;
	v4 =	vsel vm4, v17, v22;
	[tilespmem:$0x1FFD0] =	vst v7;
	v7 =	vnsel vm0, $0x23, v9  }
0xc2: {  	vm3 =	vgt.f32 v20, v4;
	v2 =	vsel vm1, v7, v2;
	vm1 =	vgt.f32 v3, v1  }
0xc3: {  	v30 =	vld [tilespmem:$0x1FD70];
	v1 =	vsel vm1, v3, v1;
	v3 =	vsel vm3, v20, v4;
	v4 =	vsel vm3, v4, v20  }
0xc4: {  	v32 =	vld [tilespmem:$0x1FD80];
	v5 =	vsel vm1, $0xFFFFFFFF, v28;
	vm1 =	vgt.f32 v4, v1;
	vm2 =	vgt.f32 v24, v3  }
0xc5: {  	v31 =	vimm.s32 $0x0;
	v34 =	vld [tilespmem:$0x1FD90];
	v1 =	vsel vm1, v4, v1;
	v33 =	vsel vm2, v3, v24  }
0xc6: {  	v35 =	vld [tilespmem:$0x1FDA0];
	v8 =	vsel vm1, $0xFFFFFFFF, v31;
	vm1 =	vgt.f32 v33, v1  }
0xc7: {  	v36 =	vld [tilespmem:$0x1FDB0];
	v3 =	vsel vm2, v24, v3;
	v1 =	vsel vm1, v33, v1  }
0xc8: {  	v29 =	vsel vm0, $0x23, v9;
	vm0 =	vnez.u8 v30;
	v1 =	vsub.f32 v1, v3;
	v3 =	vld [tilespmem:$0x1FDC0]  }
0xc9: {  	v7 =	vsel vm0, $0x24, v29;
	[tilespmem:$0x1FFE0] =	vst v5;
	v5 =	vnsel vm0, $0x24, v29;
	vm0 =	vnez.u8 v32  }
0xca: {  	v2 =	vsel vm0, v5, v2;
	vm0 =	vnez.u8 v34  }
0xcb: {  	v5 =	vsel vm0, $0x25, v7;
	v7 =	vnsel vm0, $0x25, v7;
	vm0 =	vnez.u8 v35  }
0xcc: {  	v2 =	vsel vm0, v7, v2;
	vm0 =	vnez.u8 v36  }
0xcd: {  	v4 =	vsel vm0, $0x26, v5;
	v5 =	vnsel vm0, $0x26, v5;
	vm0 =	vnez.u8 v3;
	v3 =	vld [tilespmem:$0x1FDD0]  }
0xce: {  	v37 =	vld [tilespmem:$0x1FDE0]  }
0xcf: {  	v38 =	vld [tilespmem:$0x1FDF0]  }
0xd0: {  	v39 =	vld [tilespmem:$0x1FE00];
	v1 =	vmul.f32 $1.442695020e+00, v1  }
0xd1: {  	v40 =	vld [tilespmem:$0x1FE10]  }
0xd2: {  	(erf) = vpow2.f32 v1;
	v1 =	vld [tilespmem:$0x1FE20];
	v2 =	vsel vm0, v5, v2;
	vm0 =	vnez.u8 v3  }
0xd3: {  	v3 =	vsel vm0, $0x27, v4;
	v4 =	vnsel vm0, $0x27, v4;
	vm0 =	vnez.u8 v37  }
0xd4: {  	v2 =	vsel vm0, v4, v2;
	vm0 =	vnez.u8 v38  }
0xd5: {  	v4 =	vnsel vm0, $0x28, v3;
	v3 =	vsel vm0, $0x28, v3;
	vm0 =	vnez.u8 v39  }
0xd6: {  	v2 =	vsel vm0, v4, v2;
	vm0 =	vnez.u8 v40  }
0xd7: {  	v4 =	vsel vm0, $0x29, v3;
	v3 =	vnsel vm0, $0x29, v3;
	vm0 =	vnez.u8 v1  }
0xd8: {  	v1 =	vsel vm0, v3, v2;
	v2 =	vld [tilespmem:$0x1FE30]  }
0xd9: {  	v41 =	vld [tilespmem:$0x1FE40];
	_ =	sdelay $0x3  }
0xda: {  	vm0 =	vnez.u8 v2  }
0xdb: {  	v2 =	vsel vm0, $0x2A, v4;
	v3 =	vnsel vm0, $0x2A, v4;
	vm0 =	vnez.u8 v41  }
0xdc: {  	v1 =	vsel vm0, v3, v1;
	v3 =	vld [tilespmem:$0x1FE50]  }
0xdd: {  	v42 =	vld [tilespmem:$0x1FE60];
	_ =	sdelay $0x3  }
0xde: {  	vm0 =	vnez.u8 v3  }
0xdf: {  	v3 =	vsel vm0, $0x2B, v2;
	v2 =	vnsel vm0, $0x2B, v2;
	vm0 =	vnez.u8 v42  }
0xe0: {  	v1 =	vsel vm0, v2, v1;
	v2 =	vld [tilespmem:$0x1FE70]  }
0xe1: {  	v43 =	vld [tilespmem:$0x1FE80];
	_ =	sdelay $0x3  }
0xe2: {  	vm0 =	vnez.u8 v2  }
0xe3: {  	v2 =	vsel vm0, $0x2C, v3;
	v3 =	vnsel vm0, $0x2C, v3;
	vm0 =	vnez.u8 v43  }
0xe4: {  	v1 =	vsel vm0, v3, v1;
	v3 =	vld [tilespmem:$0x1FE90]  }
0xe5: {  	v44 =	vld [tilespmem:$0x1FEA0];
	_ =	sdelay $0x3  }
0xe6: {  	vm0 =	vnez.u8 v3  }
0xe7: {  	v3 =	vsel vm0, $0x2D, v2;
	v2 =	vnsel vm0, $0x2D, v2;
	vm0 =	vnez.u8 v44  }
0xe8: {  	v1 =	vsel vm0, v2, v1;
	v2 =	vld [tilespmem:$0x1FEB0]  }
0xe9: {  	v45 =	vld [tilespmem:$0x1FEC0];
	_ =	sdelay $0x3  }
0xea: {  	vm0 =	vnez.u8 v2  }
0xeb: {  	v2 =	vsel vm0, $0x2E, v3;
	v3 =	vnsel vm0, $0x2E, v3;
	vm0 =	vnez.u8 v45  }
0xec: {  	v1 =	vsel vm0, v3, v1;
	v3 =	vld [tilespmem:$0x1FED0]  }
0xed: {  	v46 =	vld [tilespmem:$0x1FEE0];
	_ =	sdelay $0x3  }
0xee: {  	vm0 =	vnez.u8 v3  }
0xef: {  	v3 =	vsel vm0, $0x2F, v2;
	v2 =	vnsel vm0, $0x2F, v2;
	vm0 =	vnez.u8 v46  }
0xf0: {  	v1 =	vsel vm0, v2, v1;
	v2 =	vld [tilespmem:$0x1FEF0]  }
0xf1: {  	v47 =	vld [tilespmem:$0x1FF00];
	_ =	sdelay $0x3  }
0xf2: {  	vm0 =	vnez.u8 v2  }
0xf3: {  	v2 =	vsel vm0, $0x30, v3;
	v3 =	vnsel vm0, $0x30, v3;
	vm0 =	vnez.u8 v47  }
0xf4: {  	v1 =	vsel vm0, v3, v1;
	v3 =	vld [tilespmem:$0x1FF10]  }
0xf5: {  	v48 =	vld [tilespmem:$0x1FF20];
	_ =	sdelay $0x1  }
0xf6: {  	v50 =	vld [tilespmem:$0x1FF30]  }
0xf7: {  	v52 =	vld [tilespmem:$0x1FF40]  }
0xf8: {  	v54 =	vld [tilespmem:$0x1FF60];
	vm0 =	vnez.u8 v3  }
0xf9: {  	v53 =	vld [tilespmem:$0x1FF50];
	v3 =	vsel vm0, $0x31, v2;
	v2 =	vnsel vm0, $0x31, v2;
	vm0 =	vnez.u8 v48  }
0xfa: {  	v55 =	vld [tilespmem:$0x1FF70];
	v1 =	vsel vm0, v2, v1  }
0xfb: {  	v49 =	vpop (erf);
	v2 =	vsel vm15, $0x32, v3;
	v3 =	vnsel vm15, $0x32, v3;
	vm15 =	vnez.u8 v50  }
0xfc: {  	v51 =	vadd.f32 $1.000000000e+00, v49;
	v1 =	vsel vm15, v3, v1  }
0xfd: {  	v56 =	vld [tilespmem:$0x1FF80];
	v3 =	vnsel vm14, $0x33, v2;
	v2 =	vsel vm14, $0x33, v2;
	vm14 =	vnez.u8 v52  }
0xfe: {  	v57 =	vld [tilespmem:$0x1FF90];
	vm15 =	vnez.u8 v53;
	v1 =	vsel vm14, v3, v1;
	v3 =	vsel vm13, $0x34, v2  }
0xff: {  	v58 =	vld [tilespmem:$0x1FFA0];
	v2 =	vnsel vm13, $0x34, v2;
	vm13 =	vnez.u8 v54;
	vm14 =	vnez.u8 v55  }
0x100: {  	v59 =	vld [tilespmem:$0x1FFB0];
	[tilespmem:$0x1FFC0] =	vst v10;
	v1 =	vsel vm15, v2, v1;
	v2 =	vsel vm11, $0x35, v3;
	v3 =	vnsel vm11, $0x35, v3  }
0x101: {  	v60 =	vld [tilespmem:$0x1FFC0];
	v1 =	vsel vm13, v3, v1;
	v3 =	vsel vm10, $0x36, v2;
	v2 =	vnsel vm10, $0x36, v2  }
0x102: {  	(erf) = vrcp.f32 v51;
	vm15 =	vnez.u8 v56;
	v1 =	vsel vm14, v2, v1  }
0x103: {  	v2 =	vsel vm9, $0x37, v3;
	v3 =	vnsel vm9, $0x37, v3;
	vm9 =	vnez.u8 v57  }
0x104: {  	v1 =	vsel vm15, v3, v1;
	v3 =	vsel vm8, $0x38, v2;
	v2 =	vnsel vm8, $0x38, v2  }
0x105: {  	vm11 =	vnez.u8 v59;
	vm10 =	vnez.u8 v58;
	v1 =	vsel vm9, v2, v1  }
0x106: {  	v61 =	vld [tilespmem:$0x1FFD0];
	v2 =	vsel vm12, $0x39, v3;
	v3 =	vnsel vm12, $0x39, v3;
	vm12 =	vnez.u8 v60  }
0x107: {  	v1 =	vsel vm10, v3, v1;
	v3 =	vsel vm7, $0x3A, v2;
	v2 =	vnsel vm7, $0x3A, v2  }
0x108: {  	v1 =	vsel vm11, v2, v1;
	v2 =	vsel vm6, $0x3B, v3;
	v3 =	vnsel vm6, $0x3B, v3  }
0x109: {  	v1 =	vsel vm12, v3, v1;
	v3 =	vnsel vm5, $0x3C, v2;
	_ =	sdelay $0x1  }
0x10a: {  	v63 =	vld [tilespmem:$0x1FFE0];
	vm13 =	vnez.u8 v61  }
0x10b: {  	[tilespmem:$0x1FFF0] =	vst v8;
	v1 =	vsel vm13, v3, v1;
	v3 =	vpop (erf)  }
0x10c: {  	v4 =	vmul.f32 v3, v49;
	[tilespmem:s20+$0x0] =	vst v3;
	v3 =	vld [tilespmem:$0x1FFF0];
	_ =	sdelay $0x1  }
0x10d: {  	v2 =	vsel vm5, $0x3C, v2  }
0x10e: {  	p0 =	sne.s32 s22, $0x3F0;
	vm14 =	vnez.u8 v63;
	v62 =	vsel vm4, $0x3D, v2;
	v2 =	vnsel vm4, $0x3D, v2  }
.Ltmp0:
0x10f: {  	v1 =	vsel vm14, v2, v1;
	(pc) =	sbr.rel @p0 .LBB2_2-.Ltmp0, $4  }
0x110: {  	v2 =	vsel vm3, $0x3E, v62;
	v5 =	vnsel vm3, $0x3E, v62;
	vm15 =	vnez.u8 v3  }
0x111: {  	[tilespmem:s19+$0x0] =	vst v4;
	v3 =	vsel vm2, $0x3F, v2;
	v2 =	vnsel vm2, $0x3F, v2;
	v1 =	vsel vm15, v5, v1  }
0x112: {  	s21 =	sadd.s32 $0x80, s21;
	s22 =	sadd.s32 $0x10, s22;
	s20 =	sadd.s32 $0x10, s20;
	[tilespmem:s18+$0x0] =	vst v3;
	v1 =	vsel vm1, v2, v1  }
0x113: {  	s19 =	sadd.s32 $0x10, s19;
	s18 =	sadd.s32 $0x10, s18;
	[tilespmem:s17+$0x0] =	vst v1;
	s17 =	sadd.s32 $0x10, s17  }
0x114: {  	[hbm4b:s4+s2] =	stream.linear.scatter [tilespmem:s12], [sflag:$0x1], $0x400, $0x38;
	[tilespmem:$0x11000] =	vst v63  }
0x115: {  	_ =	swait.ge [sflag:s11], $0x400  }
0x116: {  	[sflag:s11] =	ssyncset.done $0x0  }
0x117: {  	[sflag:s11] =	ssyncadd.s32 $0xFFFFFC00  }
0x118: {  	[hbm4b:s5+s2] =	stream.linear.scatter [tilespmem:s13], [sflag:$0x1], $0x400, $0x38;
	[tilespmem:$0x11000] =	vst v63  }
0x119: {  	_ =	swait.ge [sflag:s11], $0x400  }
0x11a: {  	[sflag:s11] =	ssyncset.done $0x0  }
0x11b: {  	[sflag:s11] =	ssyncadd.s32 $0xFFFFFC00  }
0x11c: {  	[hbm4b:s6+s2] =	stream.linear.scatter [tilespmem:s14], [sflag:$0x1], $0x400, $0x38;
	[tilespmem:$0x11000] =	vst v63  }
0x11d: {  	s16 =	sadd.s32 $0x1, s16;
	_ =	swait.ge [sflag:s11], $0x400  }
0x11e: {  	p0 =	sne.s32 s16, s8;
	[sflag:s11] =	ssyncset.done $0x0  }
.Ltmp1:
0x11f: {  	[sflag:s11] =	ssyncadd.s32 $0xFFFFFC00;
	(pc) =	sbr.rel @p0 .LBB2_1-.Ltmp1, $4  }
0x120: {  	[hbm4b:s7+s2] =	stream.linear.scatter [tilespmem:s15], [sflag:$0x1], $0x400, $0x38;
	[tilespmem:$0x11000] =	vst v63  }
0x121: {  	_ =	swait.ge [sflag:s11], $0x400  }
0x122: {  	[sflag:s11] =	ssyncset.done $0x0  }
0x123: {  	[sflag:s11] =	ssyncadd.s32 $0xFFFFFC00  }
0x124: {  	_ =	sfence.sel $0x180000  }
0x125: {  	[bflag:$0x0] =	sbarrier.arrive $0xFFFF  }
0x126: {  	p0 =	sne.s32 s1, $0x0;
	_ =	strace $0x90000047  }
0x127: {  	s0 =	sadd.s32 @!p0 $0x100000, s0;
	[bflag:$0x2] =	sbarrier.arrive $0xFFFF  }
0x128: {  	[sflag:s0] =	ssyncadd.tile.s32 @!p0 $0x1;
	_ =	shalt  }
.Lfunc_end2:
_tile_overlayer_lowered:
.L_overlay_start_2:
0x129: {  	(tag) =	ssettag $0x2  }
0x12a: {  	s0 =	rddreg [dreg:$0x0];
	s2 =	stileid.u32  }
0x12b: {  	s1 =	rddreg [dreg:$0x1];
	p0 =	sne.s32 s2, $0x0  }
0x12c: {  	s3 =	rddreg [dreg:$0x2];
	[bflag:$0x3] =	sbarrier.arrive $0xFFFF;
	s2 =	simm.s32 @!p0 $0x1C01  }
0x12d: {  	[timem:s3], [sflag:s2] =	dma.local @!p0 [hbm:s0], s1  }
0x12e: {  	s0 =	simm.s32 @!p0 $0x1  }
0x12f: {  	_ =	swait.ge @!p0 [sflag:s0], s1  }
0x130: {  	s1 =	ssub.s32 @!p0 $0x0, s1;
	[sflag:s0] =	ssyncset.done @!p0 $0x0  }
0x131: {  	[sflag:s0] =	ssyncadd.s32 @!p0 s1  }
0x132: {  	[bflag:$0x3] =	sbarrier.arrive $0xFFFF  }
0x133: {  	_ =	shalt  }

</sc_bundles>
